<compile_context>
chip_gen: v7x
topology: tpu7x:2x2x1
jax: 0.10.2.dev20260603
libtpu: 0.0.44.dev20260713+nightly
codegen_flags: <defaults>
</compile_context>

<pallas_src>
import functools

import jax
import jax.numpy as jnp
from jax import lax
from jax.experimental import pallas as pl
from jax.experimental.pallas import tpu as pltpu
from jax.experimental.pallas import tpu_sc as plsc

NC = 2
NS = 16
NW = NC * NS
LANES = 16


def _sc_segment_sum(feature, src, dst, n_pad):
  n, d = feature.shape
  e = src.shape[0]
  epw = e // NW
  k = 80
  nb = 2
  nsup = epw // (nb * k)
  tail = epw % (nb * k)
  rpt = n_pad // NS
  assert tail % 8 == 0 and tail <= k and nsup % 2 == 0

  mesh = plsc.VectorSubcoreMesh(
      core_axis_name="c", subcore_axis_name="s",
      num_cores=NC, num_subcores=NS)

  @functools.partial(
      pl.kernel,
      out_type=jax.ShapeDtypeStruct((NC, n_pad, d), jnp.float32),
      mesh=mesh,
      scratch_types=[
          pltpu.VMEM((2, nb, k), jnp.int32),
          pltpu.VMEM((2, nb, k), jnp.int32),
          pltpu.VMEM((2, nb, k, d), jnp.float32),
          pltpu.VMEM((tail,), jnp.int32),
          pltpu.VMEM((tail,), jnp.int32),
          pltpu.VMEM_SHARED((n_pad, d), jnp.float32),
          pltpu.SemaphoreType.DMA,
          pltpu.SemaphoreType.DMA,
          pltpu.SemaphoreType.DMA,
          pltpu.SemaphoreType.DMA,
      ],
  )
  def scatter_kernel(feat_hbm, src_hbm, dst_hbm, part_hbm,
                     sidx_v, didx_v, rows_v, sidx_t, didx_t, accum_sh,
                     sem_g, sem_s, sem_i, sem_z):
    cid = lax.axis_index("c")
    sid = lax.axis_index("s")
    wid = sid * NC + cid

    def zero_row(i, carry):
      for j in range(d // LANES):
        rows_v[1, 0, i, pl.ds(j * LANES, LANES)] = (
            jnp.zeros((LANES,), jnp.float32))
      return carry
    lax.fori_loop(0, k, zero_row, 0)
    nfull, rem = rpt // k, rpt % k
    zdescs = [
        pltpu.make_async_copy(
            rows_v.at[1, 0], accum_sh.at[pl.ds(sid * rpt + j * k, k)], sem_z)
        for j in range(nfull)]
    if rem:
      zdescs.append(pltpu.make_async_copy(
          rows_v.at[1, 0, pl.ds(0, rem)],
          accum_sh.at[pl.ds(sid * rpt + nfull * k, rem)], sem_z))

    base = wid * epw

    def idx_descs(sup, pset):
      descs = []
      for b in range(nb):
        off = pl.multiple_of(base + (sup * nb + b) * k, 8)
        descs.append(pltpu.make_async_copy(
            src_hbm.at[pl.ds(off, k)], sidx_v.at[pset, b], sem_i))
        descs.append(pltpu.make_async_copy(
            dst_hbm.at[pl.ds(off, k)], didx_v.at[pset, b], sem_i))
      return descs

    def gather_desc(pset, b):
      return pltpu.make_async_copy(
          feat_hbm.at[sidx_v.at[pset, b]], rows_v.at[pset, b], sem_g)

    def scatter_desc(pset, b):
      return pltpu.make_async_copy(
          rows_v.at[pset, b], accum_sh.at[didx_v.at[pset, b]], sem_s)

    for c in zdescs:
      c.start()
    for c in idx_descs(0, 0):
      c.start()
    for c in idx_descs(0, 0):
      c.wait()
    for b in range(nb):
      gather_desc(0, b).start()
    for c in zdescs:
      c.wait()
    plsc.subcore_barrier()

    def half_step(g, p):
      q = 1 - p

      @pl.when(g > 0)
      def _():
        for b in range(nb):
          scatter_desc(q, b).wait()

      @pl.when(g + 1 < nsup)
      def _():
        for c in idx_descs(g + 1, q):
          c.start()

      for b in range(nb):
        gather_desc(p, b).wait()
      for b in range(nb):
        scatter_desc(p, b).start(add=True)

      @pl.when(g + 1 < nsup)
      def _():
        for c in idx_descs(g + 1, q):
          c.wait()
        for b in range(nb):
          gather_desc(q, b).start()

    def body(t, carry):
      half_step(2 * t, 0)
      half_step(2 * t + 1, 1)
      return carry
    lax.fori_loop(0, nsup // 2, body, 0)

    for b in range(nb):
      scatter_desc((nsup - 1) % 2, b).wait()

    if tail:
      off = pl.multiple_of(base + nsup * nb * k, 8)
      pltpu.sync_copy(src_hbm.at[pl.ds(off, tail)], sidx_t)
      pltpu.sync_copy(dst_hbm.at[pl.ds(off, tail)], didx_t)
      gt = pltpu.make_async_copy(
          feat_hbm.at[sidx_t], rows_v.at[0, 0, pl.ds(0, tail)], sem_g)
      gt.start()
      gt.wait()
      pltpu.sync_copy(rows_v.at[0, 0, pl.ds(0, tail)],
                      accum_sh.at[didx_t], add=True)

    plsc.subcore_barrier()
    row0 = pl.multiple_of(sid * rpt, 8)
    pltpu.sync_copy(accum_sh.at[pl.ds(row0, rpt)],
                    part_hbm.at[cid, pl.ds(row0, rpt)])

  return scatter_kernel(feature, src, dst)


def _tc_lstm(partials, w3, b3, n, d):
  blk = 1000
  grid = (n // blk,)

  def body(p_ref, w_ref, b_ref, h_ref, c_ref):
    x = p_ref[0] + p_ref[1]
    gates = lax.dot_general(x, w_ref[...], (((1,), (1,)), ((), ())),
                            preferred_element_type=jnp.float32)
    gates = gates + b_ref[...]
    i_g = jax.nn.sigmoid(gates[:, 0 * d:1 * d])
    g_g = jnp.tanh(gates[:, 1 * d:2 * d])
    o_g = jax.nn.sigmoid(gates[:, 2 * d:3 * d])
    c_new = i_g * g_g
    h_ref[...] = o_g * jnp.tanh(c_new)
    c_ref[...] = c_new

  h_new, c_new = pl.pallas_call(
      body,
      grid=grid,
      in_specs=[
          pl.BlockSpec((NC, blk, d), lambda i: (0, i, 0)),
          pl.BlockSpec((3 * d, d), lambda i: (0, 0)),
          pl.BlockSpec((1, 3 * d), lambda i: (0, 0)),
      ],
      out_specs=[
          pl.BlockSpec((blk, d), lambda i: (i, 0)),
          pl.BlockSpec((blk, d), lambda i: (i, 0)),
      ],
      out_shape=[
          jax.ShapeDtypeStruct((n, d), jnp.float32),
          jax.ShapeDtypeStruct((n, d), jnp.float32),
      ],
  )(partials, w3, b3)
  return h_new, c_new


@jax.jit
def kernel(feature, edge_index, h0, c0, W_ih, W_hh, b_ih, b_hh):
  n, d = feature.shape
  n_pad = ((n + 8 * NS - 1) // (8 * NS)) * (8 * NS)
  src = edge_index[0]
  dst = edge_index[1]
  w3 = jnp.concatenate([W_ih[:d], W_ih[2 * d:]], axis=0)
  b = b_ih + b_hh
  b3 = jnp.concatenate([b[:d], b[2 * d:]]).reshape(1, 3 * d)
  partials = _sc_segment_sum(feature, src, dst, n_pad)
  h_new, c_new = _tc_lstm(partials, w3, b3, n, d)
  out = h_new[None, :, :]
  return out, h_new[None, :, :], c_new[None, :, :]

# --- scband reference (transcript-rebuilt; emitter-appended) ---
"""Pipeline reference for scband-gcnlstmlayer-71004399337891 (READ-ONLY COPY).

The authoritative reference and input builder live on the scoring server;
editing this copy changes nothing except your own understanding.
"""

import jax, jax.numpy as jnp
import numpy as np

N, E, D = 10000, 320000, 128

def setup_inputs(seed: int = 0) -> dict:
    key = jax.random.key(seed)
    ks = jax.random.split(key, 8)
    feature = jax.random.normal(ks[0], (N, D), dtype=jnp.float32)
    edge_index = jax.random.randint(ks[1], (2, E), 0, N, dtype=jnp.int32)
    h0 = jnp.zeros((1, N, D), dtype=jnp.float32)
    c0 = jnp.zeros((1, N, D), dtype=jnp.float32)
    s = 1.0 / np.sqrt(D)
    W_ih = jax.random.uniform(ks[2], (4 * D, D), minval=-s, maxval=s, dtype=jnp.float32)
    W_hh = jax.random.uniform(ks[3], (4 * D, D), minval=-s, maxval=s, dtype=jnp.float32)
    b_ih = jax.random.uniform(ks[4], (4 * D,), minval=-s, maxval=s, dtype=jnp.float32)
    b_hh = jax.random.uniform(ks[5], (4 * D,), minval=-s, maxval=s, dtype=jnp.float32)
    return {"feature": feature, "edge_index": edge_index, "h0": h0, "c0": c0,
            "W_ih": W_ih, "W_hh": W_hh, "b_ih": b_ih, "b_hh": b_hh}

def reference(feature, edge_index, h0, c0, W_ih, W_hh, b_ih, b_hh):
    # GCN message passing: copy_src + sum reduce (scatter-add by dst node)
    src = edge_index[0]
    dst = edge_index[1]
    msgs = jnp.take(feature, src, axis=0)                      # gather [E, D]
    h_agg = jax.ops.segment_sum(msgs, dst, num_segments=N)     # scatter-add [N, D]
    # single-step LSTM over seq_len=1, batch=N (torch nn.LSTM gate order: i, f, g, o)
    x = h_agg
    h_prev = h0[0]
    c_prev = c0[0]
    gates = x @ W_ih.T + b_ih + h_prev @ W_hh.T + b_hh
    i_g, f_g, g_g, o_g = jnp.split(gates, 4, axis=-1)
    i_g = jax.nn.sigmoid(i_g)
    f_g = jax.nn.sigmoid(f_g)
    g_g = jnp.tanh(g_g)
    o_g = jax.nn.sigmoid(o_g)
    c_new = f_g * c_prev + i_g * g_g
    h_new = o_g * jnp.tanh(c_new)
    out = h_new[None, :, :]           # [1, N, D] LSTM output sequence
    return out, h_new[None, :, :], c_new[None, :, :]

if __name__ == "__main__":
    import jax
    _d = setup_inputs()
    print(jax.jit(kernel)(*tuple(_d.values())))

</pallas_src>

<mosaic_0001>
#map = affine_map<(d0, d1) -> (0, 0)>
#map1 = affine_map<(d0, d1) -> (0)>
#map2 = affine_map<(d0, d1) -> (0, 0, 0)>
module attributes {stable_mosaic.version = 14 : i64} {
  func.func @scatter_kernel(%arg0: i32, %arg1: i32, %arg2: memref<10000x128xf32, #tpu.memory_space<hbm>>, %arg3: memref<320000xi32, #tpu.memory_space<hbm>>, %arg4: memref<320000xi32, #tpu.memory_space<hbm>>, %arg5: memref<2x10112x128xf32, #tpu.memory_space<hbm>>, %arg6: memref<2x2x80xi32, #tpu.memory_space<vmem>>, %arg7: memref<2x2x80xi32, #tpu.memory_space<vmem>>, %arg8: memref<2x2x80x128xf32, #tpu.memory_space<vmem>>, %arg9: memref<80xi32, #tpu.memory_space<vmem>>, %arg10: memref<80xi32, #tpu.memory_space<vmem>>, %arg11: memref<10112x128xf32, #tpu.memory_space<vmem_shared>>, %arg12: memref<!tpu.dma_semaphore, #tpu.memory_space<semaphore_mem>>, %arg13: memref<!tpu.dma_semaphore, #tpu.memory_space<semaphore_mem>>, %arg14: memref<!tpu.dma_semaphore, #tpu.memory_space<semaphore_mem>>, %arg15: memref<!tpu.dma_semaphore, #tpu.memory_space<semaphore_mem>>) attributes {dimension_semantics = [#tpu.dimension_semantics<core_parallel>, #tpu.dimension_semantics<subcore_parallel>], iteration_bounds = array<i64: 2, 16>, scalar_prefetch = 0 : i64, scratch_operands = 10 : i64, tpu.core_type = #tpu.core_type<sc_vector_subcore>, window_params = [{transform_indices = #map}, {transform_indices = #map1}, {transform_indices = #map1}, {transform_indices = #map2}]} {
    %mul3A = arith.constant 2 : i32
    %mul3A_0 = arith.muli %arg1, %mul3A : i32
    %add3A = arith.addi %mul3A_0, %arg0 : i32
    %scan3A = arith.constant 0 : i32
    %scan3A_1 = arith.constant 0 : i32
    %scan3A_2 = arith.constant 80 : i32
    %scan3A_3 = arith.addi %scan3A_1, %scan3A_2 : i32
    %scan3A_4 = arith.constant 1 : i32
    scf.for %scan3A_441 = %scan3A_1 to %scan3A_3 step %scan3A_4  : i32 {
      %broadcast_in_dim3A = arith.constant 0.000000e+00 : f32
      %broadcast_in_dim3A_442 = vector.broadcast %broadcast_in_dim3A : f32 to vector<16xf32>
      %swap3A = arith.constant 1 : i32
      %swap3A_443 = arith.constant 0 : i32
      %swap3A_444 = arith.index_cast %swap3A : i32 to index
      %swap3A_445 = arith.index_cast %swap3A_443 : i32 to index
      %swap3A_446 = arith.index_cast %scan3A_441 : i32 to index
      %swap3A_447 = arith.constant 0 : index
      %swap3A_448 = tpu.vector_load %arg8[%swap3A_444, %swap3A_445, %swap3A_446, %swap3A_447] {strides = array<i32>} : memref<2x2x80x128xf32, #tpu.memory_space<vmem>>, vector<1x1x1x16xf32>,
      %swap3A_449 = vector.shape_cast %swap3A_448 : vector<1x1x1x16xf32> to vector<16xf32>
      %swap3A_450 = vector.shape_cast %broadcast_in_dim3A_442 : vector<16xf32> to vector<1x1x1x16xf32>
      tpu.vector_store %arg8[%swap3A_444, %swap3A_445, %swap3A_446, %swap3A_447], %swap3A_450 {strides = array<i32>} : memref<2x2x80x128xf32, #tpu.memory_space<vmem>>, vector<1x1x1x16xf32>,
      %broadcast_in_dim3A_451 = arith.constant 0.000000e+00 : f32
      %broadcast_in_dim3A_452 = vector.broadcast %broadcast_in_dim3A_451 : f32 to vector<16xf32>
      %swap3A_453 = arith.constant 1 : i32
      %swap3A_454 = arith.constant 0 : i32
      %swap3A_455 = arith.index_cast %swap3A_453 : i32 to index
      %swap3A_456 = arith.index_cast %swap3A_454 : i32 to index
      %swap3A_457 = arith.index_cast %scan3A_441 : i32 to index
      %swap3A_458 = arith.constant 16 : index
      %swap3A_459 = tpu.vector_load %arg8[%swap3A_455, %swap3A_456, %swap3A_457, %swap3A_458] {strides = array<i32>} : memref<2x2x80x128xf32, #tpu.memory_space<vmem>>, vector<1x1x1x16xf32>,
      %swap3A_460 = vector.shape_cast %swap3A_459 : vector<1x1x1x16xf32> to vector<16xf32>
      %swap3A_461 = vector.shape_cast %broadcast_in_dim3A_452 : vector<16xf32> to vector<1x1x1x16xf32>
      tpu.vector_store %arg8[%swap3A_455, %swap3A_456, %swap3A_457, %swap3A_458], %swap3A_461 {strides = array<i32>} : memref<2x2x80x128xf32, #tpu.memory_space<vmem>>, vector<1x1x1x16xf32>,
      %broadcast_in_dim3A_462 = arith.constant 0.000000e+00 : f32
      %broadcast_in_dim3A_463 = vector.broadcast %broadcast_in_dim3A_462 : f32 to vector<16xf32>
      %swap3A_464 = arith.constant 1 : i32
      %swap3A_465 = arith.constant 0 : i32
      %swap3A_466 = arith.index_cast %swap3A_464 : i32 to index
      %swap3A_467 = arith.index_cast %swap3A_465 : i32 to index
      %swap3A_468 = arith.index_cast %scan3A_441 : i32 to index
      %swap3A_469 = arith.constant 32 : index
      %swap3A_470 = tpu.vector_load %arg8[%swap3A_466, %swap3A_467, %swap3A_468, %swap3A_469] {strides = array<i32>} : memref<2x2x80x128xf32, #tpu.memory_space<vmem>>, vector<1x1x1x16xf32>,
      %swap3A_471 = vector.shape_cast %swap3A_470 : vector<1x1x1x16xf32> to vector<16xf32>
      %swap3A_472 = vector.shape_cast %broadcast_in_dim3A_463 : vector<16xf32> to vector<1x1x1x16xf32>
      tpu.vector_store %arg8[%swap3A_466, %swap3A_467, %swap3A_468, %swap3A_469], %swap3A_472 {strides = array<i32>} : memref<2x2x80x128xf32, #tpu.memory_space<vmem>>, vector<1x1x1x16xf32>,
      %broadcast_in_dim3A_473 = arith.constant 0.000000e+00 : f32
      %broadcast_in_dim3A_474 = vector.broadcast %broadcast_in_dim3A_473 : f32 to vector<16xf32>
      %swap3A_475 = arith.constant 1 : i32
      %swap3A_476 = arith.constant 0 : i32
      %swap3A_477 = arith.index_cast %swap3A_475 : i32 to index
      %swap3A_478 = arith.index_cast %swap3A_476 : i32 to index
      %swap3A_479 = arith.index_cast %scan3A_441 : i32 to index
      %swap3A_480 = arith.constant 48 : index
      %swap3A_481 = tpu.vector_load %arg8[%swap3A_477, %swap3A_478, %swap3A_479, %swap3A_480] {strides = array<i32>} : memref<2x2x80x128xf32, #tpu.memory_space<vmem>>, vector<1x1x1x16xf32>,
      %swap3A_482 = vector.shape_cast %swap3A_481 : vector<1x1x1x16xf32> to vector<16xf32>
      %swap3A_483 = vector.shape_cast %broadcast_in_dim3A_474 : vector<16xf32> to vector<1x1x1x16xf32>
      tpu.vector_store %arg8[%swap3A_477, %swap3A_478, %swap3A_479, %swap3A_480], %swap3A_483 {strides = array<i32>} : memref<2x2x80x128xf32, #tpu.memory_space<vmem>>, vector<1x1x1x16xf32>,
      %broadcast_in_dim3A_484 = arith.constant 0.000000e+00 : f32
      %broadcast_in_dim3A_485 = vector.broadcast %broadcast_in_dim3A_484 : f32 to vector<16xf32>
      %swap3A_486 = arith.constant 1 : i32
      %swap3A_487 = arith.constant 0 : i32
      %swap3A_488 = arith.index_cast %swap3A_486 : i32 to index
      %swap3A_489 = arith.index_cast %swap3A_487 : i32 to index
      %swap3A_490 = arith.index_cast %scan3A_441 : i32 to index
      %swap3A_491 = arith.constant 64 : index
      %swap3A_492 = tpu.vector_load %arg8[%swap3A_488, %swap3A_489, %swap3A_490, %swap3A_491] {strides = array<i32>} : memref<2x2x80x128xf32, #tpu.memory_space<vmem>>, vector<1x1x1x16xf32>,
      %swap3A_493 = vector.shape_cast %swap3A_492 : vector<1x1x1x16xf32> to vector<16xf32>
      %swap3A_494 = vector.shape_cast %broadcast_in_dim3A_485 : vector<16xf32> to vector<1x1x1x16xf32>
      tpu.vector_store %arg8[%swap3A_488, %swap3A_489, %swap3A_490, %swap3A_491], %swap3A_494 {strides = array<i32>} : memref<2x2x80x128xf32, #tpu.memory_space<vmem>>, vector<1x1x1x16xf32>,
      %broadcast_in_dim3A_495 = arith.constant 0.000000e+00 : f32
      %broadcast_in_dim3A_496 = vector.broadcast %broadcast_in_dim3A_495 : f32 to vector<16xf32>
      %swap3A_497 = arith.constant 1 : i32
      %swap3A_498 = arith.constant 0 : i32
      %swap3A_499 = arith.index_cast %swap3A_497 : i32 to index
      %swap3A_500 = arith.index_cast %swap3A_498 : i32 to index
      %swap3A_501 = arith.index_cast %scan3A_441 : i32 to index
      %swap3A_502 = arith.constant 80 : index
      %swap3A_503 = tpu.vector_load %arg8[%swap3A_499, %swap3A_500, %swap3A_501, %swap3A_502] {strides = array<i32>} : memref<2x2x80x128xf32, #tpu.memory_space<vmem>>, vector<1x1x1x16xf32>,
      %swap3A_504 = vector.shape_cast %swap3A_503 : vector<1x1x1x16xf32> to vector<16xf32>
      %swap3A_505 = vector.shape_cast %broadcast_in_dim3A_496 : vector<16xf32> to vector<1x1x1x16xf32>
      tpu.vector_store %arg8[%swap3A_499, %swap3A_500, %swap3A_501, %swap3A_502], %swap3A_505 {strides = array<i32>} : memref<2x2x80x128xf32, #tpu.memory_space<vmem>>, vector<1x1x1x16xf32>,
      %broadcast_in_dim3A_506 = arith.constant 0.000000e+00 : f32
      %broadcast_in_dim3A_507 = vector.broadcast %broadcast_in_dim3A_506 : f32 to vector<16xf32>
      %swap3A_508 = arith.constant 1 : i32
      %swap3A_509 = arith.constant 0 : i32
      %swap3A_510 = arith.index_cast %swap3A_508 : i32 to index
      %swap3A_511 = arith.index_cast %swap3A_509 : i32 to index
      %swap3A_512 = arith.index_cast %scan3A_441 : i32 to index
      %swap3A_513 = arith.constant 96 : index
      %swap3A_514 = tpu.vector_load %arg8[%swap3A_510, %swap3A_511, %swap3A_512, %swap3A_513] {strides = array<i32>} : memref<2x2x80x128xf32, #tpu.memory_space<vmem>>, vector<1x1x1x16xf32>,
      %swap3A_515 = vector.shape_cast %swap3A_514 : vector<1x1x1x16xf32> to vector<16xf32>
      %swap3A_516 = vector.shape_cast %broadcast_in_dim3A_507 : vector<16xf32> to vector<1x1x1x16xf32>
      tpu.vector_store %arg8[%swap3A_510, %swap3A_511, %swap3A_512, %swap3A_513], %swap3A_516 {strides = array<i32>} : memref<2x2x80x128xf32, #tpu.memory_space<vmem>>, vector<1x1x1x16xf32>,
      %broadcast_in_dim3A_517 = arith.constant 0.000000e+00 : f32
      %broadcast_in_dim3A_518 = vector.broadcast %broadcast_in_dim3A_517 : f32 to vector<16xf32>
      %swap3A_519 = arith.constant 1 : i32
      %swap3A_520 = arith.constant 0 : i32
      %swap3A_521 = arith.index_cast %swap3A_519 : i32 to index
      %swap3A_522 = arith.index_cast %swap3A_520 : i32 to index
      %swap3A_523 = arith.index_cast %scan3A_441 : i32 to index
      %swap3A_524 = arith.constant 112 : index
      %swap3A_525 = tpu.vector_load %arg8[%swap3A_521, %swap3A_522, %swap3A_523, %swap3A_524] {strides = array<i32>} : memref<2x2x80x128xf32, #tpu.memory_space<vmem>>, vector<1x1x1x16xf32>,
      %swap3A_526 = vector.shape_cast %swap3A_525 : vector<1x1x1x16xf32> to vector<16xf32>
      %swap3A_527 = vector.shape_cast %broadcast_in_dim3A_518 : vector<16xf32> to vector<1x1x1x16xf32>
      tpu.vector_store %arg8[%swap3A_521, %swap3A_522, %swap3A_523, %swap3A_524], %swap3A_527 {strides = array<i32>} : memref<2x2x80x128xf32, #tpu.memory_space<vmem>>, vector<1x1x1x16xf32>,
    }
    %scan3A_5 = arith.constant 80 : i32
    %mul3A_6 = arith.constant 632 : i32
    %mul3A_7 = arith.muli %arg1, %mul3A_6 : i32
    %add3A_8 = arith.constant 0 : i32
    %add3A_9 = arith.addi %mul3A_7, %add3A_8 : i32
    %mul3A_10 = arith.constant 632 : i32
    %mul3A_11 = arith.muli %arg1, %mul3A_10 : i32
    %add3A_12 = arith.constant 80 : i32
    %add3A_13 = arith.addi %mul3A_11, %add3A_12 : i32
    %mul3A_14 = arith.constant 632 : i32
    %mul3A_15 = arith.muli %arg1, %mul3A_14 : i32
    %add3A_16 = arith.constant 160 : i32
    %add3A_17 = arith.addi %mul3A_15, %add3A_16 : i32
    %mul3A_18 = arith.constant 632 : i32
    %mul3A_19 = arith.muli %arg1, %mul3A_18 : i32
    %add3A_20 = arith.constant 240 : i32
    %add3A_21 = arith.addi %mul3A_19, %add3A_20 : i32
    %mul3A_22 = arith.constant 632 : i32
    %mul3A_23 = arith.muli %arg1, %mul3A_22 : i32
    %add3A_24 = arith.constant 320 : i32
    %add3A_25 = arith.addi %mul3A_23, %add3A_24 : i32
    %mul3A_26 = arith.constant 632 : i32
    %mul3A_27 = arith.muli %arg1, %mul3A_26 : i32
    %add3A_28 = arith.constant 400 : i32
    %add3A_29 = arith.addi %mul3A_27, %add3A_28 : i32
    %mul3A_30 = arith.constant 632 : i32
    %mul3A_31 = arith.muli %arg1, %mul3A_30 : i32
    %add3A_32 = arith.constant 480 : i32
    %add3A_33 = arith.addi %mul3A_31, %add3A_32 : i32
    %mul3A_34 = arith.constant 632 : i32
    %mul3A_35 = arith.muli %arg1, %mul3A_34 : i32
    %add3A_36 = arith.constant 560 : i32
    %add3A_37 = arith.addi %mul3A_35, %add3A_36 : i32
    %mul3A_38 = arith.constant 10000 : i32
    %mul3A_39 = arith.muli %add3A, %mul3A_38 : i32
    %dma_start3A = arith.constant 1 : i32
    %dma_start3A_40 = arith.constant 0 : i32
    %dma_start3A_41 = arith.constant 0 : i32
    %dma_start3A_42 = arith.constant 0 : i32
    %dma_start3A_43 = tpu.memref_slice %arg8[%dma_start3A, %dma_start3A_40, %dma_start3A_41, %dma_start3A_42] : memref<2x2x80x128xf32, #tpu.memory_space<vmem>> -> memref<1x1x80x128xf32, #tpu.memory_space<vmem>>
    %dma_start3A_44 = tpu.memref_squeeze %dma_start3A_43 : memref<1x1x80x128xf32, #tpu.memory_space<vmem>> -> memref<80x128xf32, #tpu.memory_space<vmem>>
    %dma_start3A_45 = arith.constant 0 : i32
    %dma_start3A_46 = tpu.memref_slice %arg11[%add3A_9, %dma_start3A_45] : memref<10112x128xf32, #tpu.memory_space<vmem_shared>> -> memref<80x128xf32, #tpu.memory_space<vmem_shared>>
    %dma_start3A_47 = arith.constant 0 : i32
    %dma_start3A_48 = tpu.memref_slice %arg11[%add3A_9, %dma_start3A_47] : memref<10112x128xf32, #tpu.memory_space<vmem_shared>> -> memref<80x128xf32, #tpu.memory_space<vmem_shared>>
    %dma_start3A_49 = arith.constant 0 : i32
    %dma_start3A_50 = arith.constant 0 : i32
    %dma_start3A_51 = tpu.memref_slice %arg8[%dma_start3A, %dma_start3A_40, %dma_start3A_49, %dma_start3A_50] : memref<2x2x80x128xf32, #tpu.memory_space<vmem>> -> memref<1x1x80x128xf32, #tpu.memory_space<vmem>>
    %dma_start3A_52 = tpu.memref_squeeze %dma_start3A_51 : memref<1x1x80x128xf32, #tpu.memory_space<vmem>> -> memref<80x128xf32, #tpu.memory_space<vmem>>
    tpu.enqueue_dma source(%dma_start3A_52 : memref<80x128xf32, #tpu.memory_space<vmem>>) target(%dma_start3A_48 : memref<80x128xf32, #tpu.memory_space<vmem_shared>>) target_semaphore(%arg15 : memref<!tpu.dma_semaphore, #tpu.memory_space<semaphore_mem>>)
    %dma_start3A_53 = arith.constant 1 : i32
    %dma_start3A_54 = arith.constant 0 : i32
    %dma_start3A_55 = arith.constant 0 : i32
    %dma_start3A_56 = arith.constant 0 : i32
    %dma_start3A_57 = tpu.memref_slice %arg8[%dma_start3A_53, %dma_start3A_54, %dma_start3A_55, %dma_start3A_56] : memref<2x2x80x128xf32, #tpu.memory_space<vmem>> -> memref<1x1x80x128xf32, #tpu.memory_space<vmem>>
    %dma_start3A_58 = tpu.memref_squeeze %dma_start3A_57 : memref<1x1x80x128xf32, #tpu.memory_space<vmem>> -> memref<80x128xf32, #tpu.memory_space<vmem>>
    %dma_start3A_59 = arith.constant 0 : i32
    %dma_start3A_60 = tpu.memref_slice %arg11[%add3A_13, %dma_start3A_59] : memref<10112x128xf32, #tpu.memory_space<vmem_shared>> -> memref<80x128xf32, #tpu.memory_space<vmem_shared>>
    %dma_start3A_61 = arith.constant 0 : i32
    %dma_start3A_62 = tpu.memref_slice %arg11[%add3A_13, %dma_start3A_61] : memref<10112x128xf32, #tpu.memory_space<vmem_shared>> -> memref<80x128xf32, #tpu.memory_space<vmem_shared>>
    %dma_start3A_63 = arith.constant 0 : i32
    %dma_start3A_64 = arith.constant 0 : i32
    %dma_start3A_65 = tpu.memref_slice %arg8[%dma_start3A_53, %dma_start3A_54, %dma_start3A_63, %dma_start3A_64] : memref<2x2x80x128xf32, #tpu.memory_space<vmem>> -> memref<1x1x80x128xf32, #tpu.memory_space<vmem>>
    %dma_start3A_66 = tpu.memref_squeeze %dma_start3A_65 : memref<1x1x80x128xf32, #tpu.memory_space<vmem>> -> memref<80x128xf32, #tpu.memory_space<vmem>>
    tpu.enqueue_dma source(%dma_start3A_66 : memref<80x128xf32, #tpu.memory_space<vmem>>) target(%dma_start3A_62 : memref<80x128xf32, #tpu.memory_space<vmem_shared>>) target_semaphore(%arg15 : memref<!tpu.dma_semaphore, #tpu.memory_space<semaphore_mem>>)
    %dma_start3A_67 = arith.constant 1 : i32
    %dma_start3A_68 = arith.constant 0 : i32
    %dma_start3A_69 = arith.constant 0 : i32
    %dma_start3A_70 = arith.constant 0 : i32
    %dma_start3A_71 = tpu.memref_slice %arg8[%dma_start3A_67, %dma_start3A_68, %dma_start3A_69, %dma_start3A_70] : memref<2x2x80x128xf32, #tpu.memory_space<vmem>> -> memref<1x1x80x128xf32, #tpu.memory_space<vmem>>
    %dma_start3A_72 = tpu.memref_squeeze %dma_start3A_71 : memref<1x1x80x128xf32, #tpu.memory_space<vmem>> -> memref<80x128xf32, #tpu.memory_space<vmem>>
    %dma_start3A_73 = arith.constant 0 : i32
    %dma_start3A_74 = tpu.memref_slice %arg11[%add3A_17, %dma_start3A_73] : memref<10112x128xf32, #tpu.memory_space<vmem_shared>> -> memref<80x128xf32, #tpu.memory_space<vmem_shared>>
    %dma_start3A_75 = arith.constant 0 : i32
    %dma_start3A_76 = tpu.memref_slice %arg11[%add3A_17, %dma_start3A_75] : memref<10112x128xf32, #tpu.memory_space<vmem_shared>> -> memref<80x128xf32, #tpu.memory_space<vmem_shared>>
    %dma_start3A_77 = arith.constant 0 : i32
    %dma_start3A_78 = arith.constant 0 : i32
    %dma_start3A_79 = tpu.memref_slice %arg8[%dma_start3A_67, %dma_start3A_68, %dma_start3A_77, %dma_start3A_78] : memref<2x2x80x128xf32, #tpu.memory_space<vmem>> -> memref<1x1x80x128xf32, #tpu.memory_space<vmem>>
    %dma_start3A_80 = tpu.memref_squeeze %dma_start3A_79 : memref<1x1x80x128xf32, #tpu.memory_space<vmem>> -> memref<80x128xf32, #tpu.memory_space<vmem>>
    tpu.enqueue_dma source(%dma_start3A_80 : memref<80x128xf32, #tpu.memory_space<vmem>>) target(%dma_start3A_76 : memref<80x128xf32, #tpu.memory_space<vmem_shared>>) target_semaphore(%arg15 : memref<!tpu.dma_semaphore, #tpu.memory_space<semaphore_mem>>)
    %dma_start3A_81 = arith.constant 1 : i32
    %dma_start3A_82 = arith.constant 0 : i32
    %dma_start3A_83 = arith.constant 0 : i32
    %dma_start3A_84 = arith.constant 0 : i32
    %dma_start3A_85 = tpu.memref_slice %arg8[%dma_start3A_81, %dma_start3A_82, %dma_start3A_83, %dma_start3A_84] : memref<2x2x80x128xf32, #tpu.memory_space<vmem>> -> memref<1x1x80x128xf32, #tpu.memory_space<vmem>>
    %dma_start3A_86 = tpu.memref_squeeze %dma_start3A_85 : memref<1x1x80x128xf32, #tpu.memory_space<vmem>> -> memref<80x128xf32, #tpu.memory_space<vmem>>
    %dma_start3A_87 = arith.constant 0 : i32
    %dma_start3A_88 = tpu.memref_slice %arg11[%add3A_21, %dma_start3A_87] : memref<10112x128xf32, #tpu.memory_space<vmem_shared>> -> memref<80x128xf32, #tpu.memory_space<vmem_shared>>
    %dma_start3A_89 = arith.constant 0 : i32
    %dma_start3A_90 = tpu.memref_slice %arg11[%add3A_21, %dma_start3A_89] : memref<10112x128xf32, #tpu.memory_space<vmem_shared>> -> memref<80x128xf32, #tpu.memory_space<vmem_shared>>
    %dma_start3A_91 = arith.constant 0 : i32
    %dma_start3A_92 = arith.constant 0 : i32
    %dma_start3A_93 = tpu.memref_slice %arg8[%dma_start3A_81, %dma_start3A_82, %dma_start3A_91, %dma_start3A_92] : memref<2x2x80x128xf32, #tpu.memory_space<vmem>> -> memref<1x1x80x128xf32, #tpu.memory_space<vmem>>
    %dma_start3A_94 = tpu.memref_squeeze %dma_start3A_93 : memref<1x1x80x128xf32, #tpu.memory_space<vmem>> -> memref<80x128xf32, #tpu.memory_space<vmem>>
    tpu.enqueue_dma source(%dma_start3A_94 : memref<80x128xf32, #tpu.memory_space<vmem>>) target(%dma_start3A_90 : memref<80x128xf32, #tpu.memory_space<vmem_shared>>) target_semaphore(%arg15 : memref<!tpu.dma_semaphore, #tpu.memory_space<semaphore_mem>>)
    %dma_start3A_95 = arith.constant 1 : i32
    %dma_start3A_96 = arith.constant 0 : i32
    %dma_start3A_97 = arith.constant 0 : i32
    %dma_start3A_98 = arith.constant 0 : i32
    %dma_start3A_99 = tpu.memref_slice %arg8[%dma_start3A_95, %dma_start3A_96, %dma_start3A_97, %dma_start3A_98] : memref<2x2x80x128xf32, #tpu.memory_space<vmem>> -> memref<1x1x80x128xf32, #tpu.memory_space<vmem>>
    %dma_start3A_100 = tpu.memref_squeeze %dma_start3A_99 : memref<1x1x80x128xf32, #tpu.memory_space<vmem>> -> memref<80x128xf32, #tpu.memory_space<vmem>>
    %dma_start3A_101 = arith.constant 0 : i32
    %dma_start3A_102 = tpu.memref_slice %arg11[%add3A_25, %dma_start3A_101] : memref<10112x128xf32, #tpu.memory_space<vmem_shared>> -> memref<80x128xf32, #tpu.memory_space<vmem_shared>>
    %dma_start3A_103 = arith.constant 0 : i32
    %dma_start3A_104 = tpu.memref_slice %arg11[%add3A_25, %dma_start3A_103] : memref<10112x128xf32, #tpu.memory_space<vmem_shared>> -> memref<80x128xf32, #tpu.memory_space<vmem_shared>>
    %dma_start3A_105 = arith.constant 0 : i32
    %dma_start3A_106 = arith.constant 0 : i32
    %dma_start3A_107 = tpu.memref_slice %arg8[%dma_start3A_95, %dma_start3A_96, %dma_start3A_105, %dma_start3A_106] : memref<2x2x80x128xf32, #tpu.memory_space<vmem>> -> memref<1x1x80x128xf32, #tpu.memory_space<vmem>>
    %dma_start3A_108 = tpu.memref_squeeze %dma_start3A_107 : memref<1x1x80x128xf32, #tpu.memory_space<vmem>> -> memref<80x128xf32, #tpu.memory_space<vmem>>
    tpu.enqueue_dma source(%dma_start3A_108 : memref<80x128xf32, #tpu.memory_space<vmem>>) target(%dma_start3A_104 : memref<80x128xf32, #tpu.memory_space<vmem_shared>>) target_semaphore(%arg15 : memref<!tpu.dma_semaphore, #tpu.memory_space<semaphore_mem>>)
    %dma_start3A_109 = arith.constant 1 : i32
    %dma_start3A_110 = arith.constant 0 : i32
    %dma_start3A_111 = arith.constant 0 : i32
    %dma_start3A_112 = arith.constant 0 : i32
    %dma_start3A_113 = tpu.memref_slice %arg8[%dma_start3A_109, %dma_start3A_110, %dma_start3A_111, %dma_start3A_112] : memref<2x2x80x128xf32, #tpu.memory_space<vmem>> -> memref<1x1x80x128xf32, #tpu.memory_space<vmem>>
    %dma_start3A_114 = tpu.memref_squeeze %dma_start3A_113 : memref<1x1x80x128xf32, #tpu.memory_space<vmem>> -> memref<80x128xf32, #tpu.memory_space<vmem>>
    %dma_start3A_115 = arith.constant 0 : i32
    %dma_start3A_116 = tpu.memref_slice %arg11[%add3A_29, %dma_start3A_115] : memref<10112x128xf32, #tpu.memory_space<vmem_shared>> -> memref<80x128xf32, #tpu.memory_space<vmem_shared>>
    %dma_start3A_117 = arith.constant 0 : i32
    %dma_start3A_118 = tpu.memref_slice %arg11[%add3A_29, %dma_start3A_117] : memref<10112x128xf32, #tpu.memory_space<vmem_shared>> -> memref<80x128xf32, #tpu.memory_space<vmem_shared>>
    %dma_start3A_119 = arith.constant 0 : i32
    %dma_start3A_120 = arith.constant 0 : i32
    %dma_start3A_121 = tpu.memref_slice %arg8[%dma_start3A_109, %dma_start3A_110, %dma_start3A_119, %dma_start3A_120] : memref<2x2x80x128xf32, #tpu.memory_space<vmem>> -> memref<1x1x80x128xf32, #tpu.memory_space<vmem>>
    %dma_start3A_122 = tpu.memref_squeeze %dma_start3A_121 : memref<1x1x80x128xf32, #tpu.memory_space<vmem>> -> memref<80x128xf32, #tpu.memory_space<vmem>>
    tpu.enqueue_dma source(%dma_start3A_122 : memref<80x128xf32, #tpu.memory_space<vmem>>) target(%dma_start3A_118 : memref<80x128xf32, #tpu.memory_space<vmem_shared>>) target_semaphore(%arg15 : memref<!tpu.dma_semaphore, #tpu.memory_space<semaphore_mem>>)
    %dma_start3A_123 = arith.constant 1 : i32
    %dma_start3A_124 = arith.constant 0 : i32
    %dma_start3A_125 = arith.constant 0 : i32
    %dma_start3A_126 = arith.constant 0 : i32
    %dma_start3A_127 = tpu.memref_slice %arg8[%dma_start3A_123, %dma_start3A_124, %dma_start3A_125, %dma_start3A_126] : memref<2x2x80x128xf32, #tpu.memory_space<vmem>> -> memref<1x1x80x128xf32, #tpu.memory_space<vmem>>
    %dma_start3A_128 = tpu.memref_squeeze %dma_start3A_127 : memref<1x1x80x128xf32, #tpu.memory_space<vmem>> -> memref<80x128xf32, #tpu.memory_space<vmem>>
    %dma_start3A_129 = arith.constant 0 : i32
    %dma_start3A_130 = tpu.memref_slice %arg11[%add3A_33, %dma_start3A_129] : memref<10112x128xf32, #tpu.memory_space<vmem_shared>> -> memref<80x128xf32, #tpu.memory_space<vmem_shared>>
    %dma_start3A_131 = arith.constant 0 : i32
    %dma_start3A_132 = tpu.memref_slice %arg11[%add3A_33, %dma_start3A_131] : memref<10112x128xf32, #tpu.memory_space<vmem_shared>> -> memref<80x128xf32, #tpu.memory_space<vmem_shared>>
    %dma_start3A_133 = arith.constant 0 : i32
    %dma_start3A_134 = arith.constant 0 : i32
    %dma_start3A_135 = tpu.memref_slice %arg8[%dma_start3A_123, %dma_start3A_124, %dma_start3A_133, %dma_start3A_134] : memref<2x2x80x128xf32, #tpu.memory_space<vmem>> -> memref<1x1x80x128xf32, #tpu.memory_space<vmem>>
    %dma_start3A_136 = tpu.memref_squeeze %dma_start3A_135 : memref<1x1x80x128xf32, #tpu.memory_space<vmem>> -> memref<80x128xf32, #tpu.memory_space<vmem>>
    tpu.enqueue_dma source(%dma_start3A_136 : memref<80x128xf32, #tpu.memory_space<vmem>>) target(%dma_start3A_132 : memref<80x128xf32, #tpu.memory_space<vmem_shared>>) target_semaphore(%arg15 : memref<!tpu.dma_semaphore, #tpu.memory_space<semaphore_mem>>)
    %dma_start3A_137 = arith.constant 1 : i32
    %dma_start3A_138 = arith.constant 0 : i32
    %dma_start3A_139 = arith.constant 0 : i32
    %dma_start3A_140 = arith.constant 0 : i32
    %dma_start3A_141 = tpu.memref_slice %arg8[%dma_start3A_137, %dma_start3A_138, %dma_start3A_139, %dma_start3A_140] : memref<2x2x80x128xf32, #tpu.memory_space<vmem>> -> memref<1x1x72x128xf32, #tpu.memory_space<vmem>>
    %dma_start3A_142 = tpu.memref_squeeze %dma_start3A_141 : memref<1x1x72x128xf32, #tpu.memory_space<vmem>> -> memref<72x128xf32, #tpu.memory_space<vmem>>
    %dma_start3A_143 = arith.constant 0 : i32
    %dma_start3A_144 = tpu.memref_slice %arg11[%add3A_37, %dma_start3A_143] : memref<10112x128xf32, #tpu.memory_space<vmem_shared>> -> memref<72x128xf32, #tpu.memory_space<vmem_shared>>
    %dma_start3A_145 = arith.constant 0 : i32
    %dma_start3A_146 = tpu.memref_slice %arg11[%add3A_37, %dma_start3A_145] : memref<10112x128xf32, #tpu.memory_space<vmem_shared>> -> memref<72x128xf32, #tpu.memory_space<vmem_shared>>
    %dma_start3A_147 = arith.constant 0 : i32
    %dma_start3A_148 = arith.constant 0 : i32
    %dma_start3A_149 = tpu.memref_slice %arg8[%dma_start3A_137, %dma_start3A_138, %dma_start3A_147, %dma_start3A_148] : memref<2x2x80x128xf32, #tpu.memory_space<vmem>> -> memref<1x1x72x128xf32, #tpu.memory_space<vmem>>
    %dma_start3A_150 = tpu.memref_squeeze %dma_start3A_149 : memref<1x1x72x128xf32, #tpu.memory_space<vmem>> -> memref<72x128xf32, #tpu.memory_space<vmem>>
    tpu.enqueue_dma source(%dma_start3A_150 : memref<72x128xf32, #tpu.memory_space<vmem>>) target(%dma_start3A_146 : memref<72x128xf32, #tpu.memory_space<vmem_shared>>) target_semaphore(%arg15 : memref<!tpu.dma_semaphore, #tpu.memory_space<semaphore_mem>>)
    %add3A_151 = arith.constant 0 : i32
    %add3A_152 = arith.addi %mul3A_39, %add3A_151 : i32
    %multiple_of3A = tpu.assume_multiple %add3A_152, 8 : i32
    %add3A_153 = arith.constant 80 : i32
    %add3A_154 = arith.addi %mul3A_39, %add3A_153 : i32
    %multiple_of3A_155 = tpu.assume_multiple %add3A_154, 8 : i32
    %dma_start3A_156 = arith.constant 0 : i32
    %dma_start3A_157 = arith.constant 0 : i32
    %dma_start3A_158 = arith.constant 0 : i32
    %dma_start3A_159 = tpu.memref_slice %arg6[%dma_start3A_156, %dma_start3A_157, %dma_start3A_158] : memref<2x2x80xi32, #tpu.memory_space<vmem>> -> memref<1x1x80xi32, #tpu.memory_space<vmem>>
    %dma_start3A_160 = tpu.memref_squeeze %dma_start3A_159 : memref<1x1x80xi32, #tpu.memory_space<vmem>> -> memref<80xi32, #tpu.memory_space<vmem>>
    %dma_start3A_161 = tpu.memref_slice %arg3[%multiple_of3A] : memref<320000xi32, #tpu.memory_space<hbm>> -> memref<80xi32, #tpu.memory_space<hbm>>
    %dma_start3A_162 = arith.constant 0 : i32
    %dma_start3A_163 = tpu.memref_slice %arg6[%dma_start3A_156, %dma_start3A_157, %dma_start3A_162] : memref<2x2x80xi32, #tpu.memory_space<vmem>> -> memref<1x1x80xi32, #tpu.memory_space<vmem>>
    %dma_start3A_164 = tpu.memref_squeeze %dma_start3A_163 : memref<1x1x80xi32, #tpu.memory_space<vmem>> -> memref<80xi32, #tpu.memory_space<vmem>>
    %dma_start3A_165 = tpu.memref_slice %arg3[%multiple_of3A] : memref<320000xi32, #tpu.memory_space<hbm>> -> memref<80xi32, #tpu.memory_space<hbm>>
    tpu.enqueue_dma source(%dma_start3A_165 : memref<80xi32, #tpu.memory_space<hbm>>) target(%dma_start3A_164 : memref<80xi32, #tpu.memory_space<vmem>>) target_semaphore(%arg14 : memref<!tpu.dma_semaphore, #tpu.memory_space<semaphore_mem>>)
    %dma_start3A_166 = arith.constant 0 : i32
    %dma_start3A_167 = arith.constant 0 : i32
    %dma_start3A_168 = arith.constant 0 : i32
    %dma_start3A_169 = tpu.memref_slice %arg7[%dma_start3A_166, %dma_start3A_167, %dma_start3A_168] : memref<2x2x80xi32, #tpu.memory_space<vmem>> -> memref<1x1x80xi32, #tpu.memory_space<vmem>>
    %dma_start3A_170 = tpu.memref_squeeze %dma_start3A_169 : memref<1x1x80xi32, #tpu.memory_space<vmem>> -> memref<80xi32, #tpu.memory_space<vmem>>
    %dma_start3A_171 = tpu.memref_slice %arg4[%multiple_of3A] : memref<320000xi32, #tpu.memory_space<hbm>> -> memref<80xi32, #tpu.memory_space<hbm>>
    %dma_start3A_172 = arith.constant 0 : i32
    %dma_start3A_173 = tpu.memref_slice %arg7[%dma_start3A_166, %dma_start3A_167, %dma_start3A_172] : memref<2x2x80xi32, #tpu.memory_space<vmem>> -> memref<1x1x80xi32, #tpu.memory_space<vmem>>
    %dma_start3A_174 = tpu.memref_squeeze %dma_start3A_173 : memref<1x1x80xi32, #tpu.memory_space<vmem>> -> memref<80xi32, #tpu.memory_space<vmem>>
    %dma_start3A_175 = tpu.memref_slice %arg4[%multiple_of3A] : memref<320000xi32, #tpu.memory_space<hbm>> -> memref<80xi32, #tpu.memory_space<hbm>>
    tpu.enqueue_dma source(%dma_start3A_175 : memref<80xi32, #tpu.memory_space<hbm>>) target(%dma_start3A_174 : memref<80xi32, #tpu.memory_space<vmem>>) target_semaphore(%arg14 : memref<!tpu.dma_semaphore, #tpu.memory_space<semaphore_mem>>)
    %dma_start3A_176 = arith.constant 0 : i32
    %dma_start3A_177 = arith.constant 1 : i32
    %dma_start3A_178 = arith.constant 0 : i32
    %dma_start3A_179 = tpu.memref_slice %arg6[%dma_start3A_176, %dma_start3A_177, %dma_start3A_178] : memref<2x2x80xi32, #tpu.memory_space<vmem>> -> memref<1x1x80xi32, #tpu.memory_space<vmem>>
    %dma_start3A_180 = tpu.memref_squeeze %dma_start3A_179 : memref<1x1x80xi32, #tpu.memory_space<vmem>> -> memref<80xi32, #tpu.memory_space<vmem>>
    %dma_start3A_181 = tpu.memref_slice %arg3[%multiple_of3A_155] : memref<320000xi32, #tpu.memory_space<hbm>> -> memref<80xi32, #tpu.memory_space<hbm>>
    %dma_start3A_182 = arith.constant 0 : i32
    %dma_start3A_183 = tpu.memref_slice %arg6[%dma_start3A_176, %dma_start3A_177, %dma_start3A_182] : memref<2x2x80xi32, #tpu.memory_space<vmem>> -> memref<1x1x80xi32, #tpu.memory_space<vmem>>
    %dma_start3A_184 = tpu.memref_squeeze %dma_start3A_183 : memref<1x1x80xi32, #tpu.memory_space<vmem>> -> memref<80xi32, #tpu.memory_space<vmem>>
    %dma_start3A_185 = tpu.memref_slice %arg3[%multiple_of3A_155] : memref<320000xi32, #tpu.memory_space<hbm>> -> memref<80xi32, #tpu.memory_space<hbm>>
    tpu.enqueue_dma source(%dma_start3A_185 : memref<80xi32, #tpu.memory_space<hbm>>) target(%dma_start3A_184 : memref<80xi32, #tpu.memory_space<vmem>>) target_semaphore(%arg14 : memref<!tpu.dma_semaphore, #tpu.memory_space<semaphore_mem>>)
    %dma_start3A_186 = arith.constant 0 : i32
    %dma_start3A_187 = arith.constant 1 : i32
    %dma_start3A_188 = arith.constant 0 : i32
    %dma_start3A_189 = tpu.memref_slice %arg7[%dma_start3A_186, %dma_start3A_187, %dma_start3A_188] : memref<2x2x80xi32, #tpu.memory_space<vmem>> -> memref<1x1x80xi32, #tpu.memory_space<vmem>>
    %dma_start3A_190 = tpu.memref_squeeze %dma_start3A_189 : memref<1x1x80xi32, #tpu.memory_space<vmem>> -> memref<80xi32, #tpu.memory_space<vmem>>
    %dma_start3A_191 = tpu.memref_slice %arg4[%multiple_of3A_155] : memref<320000xi32, #tpu.memory_space<hbm>> -> memref<80xi32, #tpu.memory_space<hbm>>
    %dma_start3A_192 = arith.constant 0 : i32
    %dma_start3A_193 = tpu.memref_slice %arg7[%dma_start3A_186, %dma_start3A_187, %dma_start3A_192] : memref<2x2x80xi32, #tpu.memory_space<vmem>> -> memref<1x1x80xi32, #tpu.memory_space<vmem>>
    %dma_start3A_194 = tpu.memref_squeeze %dma_start3A_193 : memref<1x1x80xi32, #tpu.memory_space<vmem>> -> memref<80xi32, #tpu.memory_space<vmem>>
    %dma_start3A_195 = tpu.memref_slice %arg4[%multiple_of3A_155] : memref<320000xi32, #tpu.memory_space<hbm>> -> memref<80xi32, #tpu.memory_space<hbm>>
    tpu.enqueue_dma source(%dma_start3A_195 : memref<80xi32, #tpu.memory_space<hbm>>) target(%dma_start3A_194 : memref<80xi32, #tpu.memory_space<vmem>>) target_semaphore(%arg14 : memref<!tpu.dma_semaphore, #tpu.memory_space<semaphore_mem>>)
    %add3A_196 = arith.constant 0 : i32
    %add3A_197 = arith.addi %mul3A_39, %add3A_196 : i32
    %multiple_of3A_198 = tpu.assume_multiple %add3A_197, 8 : i32
    %add3A_199 = arith.constant 80 : i32
    %add3A_200 = arith.addi %mul3A_39, %add3A_199 : i32
    %multiple_of3A_201 = tpu.assume_multiple %add3A_200, 8 : i32
    %dma_wait3A = arith.constant 0 : i32
    %dma_wait3A_202 = arith.constant 0 : i32
    %dma_wait3A_203 = arith.constant 0 : i32
    %dma_wait3A_204 = tpu.memref_slice %arg6[%dma_wait3A, %dma_wait3A_202, %dma_wait3A_203] : memref<2x2x80xi32, #tpu.memory_space<vmem>> -> memref<1x1x80xi32, #tpu.memory_space<vmem>>
    %dma_wait3A_205 = tpu.memref_squeeze %dma_wait3A_204 : memref<1x1x80xi32, #tpu.memory_space<vmem>> -> memref<80xi32, #tpu.memory_space<vmem>>
    %dma_wait3A_206 = tpu.memref_slice %arg3[%multiple_of3A_198] : memref<320000xi32, #tpu.memory_space<hbm>> -> memref<80xi32, #tpu.memory_space<hbm>>
    %dma_wait3A_207 = arith.constant 0 : i32
    %dma_wait3A_208 = tpu.memref_slice %arg6[%dma_wait3A, %dma_wait3A_202, %dma_wait3A_207] : memref<2x2x80xi32, #tpu.memory_space<vmem>> -> memref<1x1x80xi32, #tpu.memory_space<vmem>>
    %dma_wait3A_209 = tpu.memref_squeeze %dma_wait3A_208 : memref<1x1x80xi32, #tpu.memory_space<vmem>> -> memref<80xi32, #tpu.memory_space<vmem>>
    %dma_wait3A_210 = tpu.memref_slice %arg3[%multiple_of3A_198] : memref<320000xi32, #tpu.memory_space<hbm>> -> memref<80xi32, #tpu.memory_space<hbm>>
    tpu.wait_dma2 semaphore(%arg14 : memref<!tpu.dma_semaphore, #tpu.memory_space<semaphore_mem>>) src(%dma_wait3A_210 : memref<80xi32, #tpu.memory_space<hbm>>) dst(%dma_wait3A_209 : memref<80xi32, #tpu.memory_space<vmem>>)
    %dma_wait3A_211 = arith.constant 0 : i32
    %dma_wait3A_212 = arith.constant 0 : i32
    %dma_wait3A_213 = arith.constant 0 : i32
    %dma_wait3A_214 = tpu.memref_slice %arg7[%dma_wait3A_211, %dma_wait3A_212, %dma_wait3A_213] : memref<2x2x80xi32, #tpu.memory_space<vmem>> -> memref<1x1x80xi32, #tpu.memory_space<vmem>>
    %dma_wait3A_215 = tpu.memref_squeeze %dma_wait3A_214 : memref<1x1x80xi32, #tpu.memory_space<vmem>> -> memref<80xi32, #tpu.memory_space<vmem>>
    %dma_wait3A_216 = tpu.memref_slice %arg4[%multiple_of3A_198] : memref<320000xi32, #tpu.memory_space<hbm>> -> memref<80xi32, #tpu.memory_space<hbm>>
    %dma_wait3A_217 = arith.constant 0 : i32
    %dma_wait3A_218 = tpu.memref_slice %arg7[%dma_wait3A_211, %dma_wait3A_212, %dma_wait3A_217] : memref<2x2x80xi32, #tpu.memory_space<vmem>> -> memref<1x1x80xi32, #tpu.memory_space<vmem>>
    %dma_wait3A_219 = tpu.memref_squeeze %dma_wait3A_218 : memref<1x1x80xi32, #tpu.memory_space<vmem>> -> memref<80xi32, #tpu.memory_space<vmem>>
    %dma_wait3A_220 = tpu.memref_slice %arg4[%multiple_of3A_198] : memref<320000xi32, #tpu.memory_space<hbm>> -> memref<80xi32, #tpu.memory_space<hbm>>
    tpu.wait_dma2 semaphore(%arg14 : memref<!tpu.dma_semaphore, #tpu.memory_space<semaphore_mem>>) src(%dma_wait3A_220 : memref<80xi32, #tpu.memory_space<hbm>>) dst(%dma_wait3A_219 : memref<80xi32, #tpu.memory_space<vmem>>)
    %dma_wait3A_221 = arith.constant 0 : i32
    %dma_wait3A_222 = arith.constant 1 : i32
    %dma_wait3A_223 = arith.constant 0 : i32
    %dma_wait3A_224 = tpu.memref_slice %arg6[%dma_wait3A_221, %dma_wait3A_222, %dma_wait3A_223] : memref<2x2x80xi32, #tpu.memory_space<vmem>> -> memref<1x1x80xi32, #tpu.memory_space<vmem>>
    %dma_wait3A_225 = tpu.memref_squeeze %dma_wait3A_224 : memref<1x1x80xi32, #tpu.memory_space<vmem>> -> memref<80xi32, #tpu.memory_space<vmem>>
    %dma_wait3A_226 = tpu.memref_slice %arg3[%multiple_of3A_201] : memref<320000xi32, #tpu.memory_space<hbm>> -> memref<80xi32, #tpu.memory_space<hbm>>
    %dma_wait3A_227 = arith.constant 0 : i32
    %dma_wait3A_228 = tpu.memref_slice %arg6[%dma_wait3A_221, %dma_wait3A_222, %dma_wait3A_227] : memref<2x2x80xi32, #tpu.memory_space<vmem>> -> memref<1x1x80xi32, #tpu.memory_space<vmem>>
    %dma_wait3A_229 = tpu.memref_squeeze %dma_wait3A_228 : memref<1x1x80xi32, #tpu.memory_space<vmem>> -> memref<80xi32, #tpu.memory_space<vmem>>
    %dma_wait3A_230 = tpu.memref_slice %arg3[%multiple_of3A_201] : memref<320000xi32, #tpu.memory_space<hbm>> -> memref<80xi32, #tpu.memory_space<hbm>>
    tpu.wait_dma2 semaphore(%arg14 : memref<!tpu.dma_semaphore, #tpu.memory_space<semaphore_mem>>) src(%dma_wait3A_230 : memref<80xi32, #tpu.memory_space<hbm>>) dst(%dma_wait3A_229 : memref<80xi32, #tpu.memory_space<vmem>>)
    %dma_wait3A_231 = arith.constant 0 : i32
    %dma_wait3A_232 = arith.constant 1 : i32
    %dma_wait3A_233 = arith.constant 0 : i32
    %dma_wait3A_234 = tpu.memref_slice %arg7[%dma_wait3A_231, %dma_wait3A_232, %dma_wait3A_233] : memref<2x2x80xi32, #tpu.memory_space<vmem>> -> memref<1x1x80xi32, #tpu.memory_space<vmem>>
    %dma_wait3A_235 = tpu.memref_squeeze %dma_wait3A_234 : memref<1x1x80xi32, #tpu.memory_space<vmem>> -> memref<80xi32, #tpu.memory_space<vmem>>
    %dma_wait3A_236 = tpu.memref_slice %arg4[%multiple_of3A_201] : memref<320000xi32, #tpu.memory_space<hbm>> -> memref<80xi32, #tpu.memory_space<hbm>>
    %dma_wait3A_237 = arith.constant 0 : i32
    %dma_wait3A_238 = tpu.memref_slice %arg7[%dma_wait3A_231, %dma_wait3A_232, %dma_wait3A_237] : memref<2x2x80xi32, #tpu.memory_space<vmem>> -> memref<1x1x80xi32, #tpu.memory_space<vmem>>
    %dma_wait3A_239 = tpu.memref_squeeze %dma_wait3A_238 : memref<1x1x80xi32, #tpu.memory_space<vmem>> -> memref<80xi32, #tpu.memory_space<vmem>>
    %dma_wait3A_240 = tpu.memref_slice %arg4[%multiple_of3A_201] : memref<320000xi32, #tpu.memory_space<hbm>> -> memref<80xi32, #tpu.memory_space<hbm>>
    tpu.wait_dma2 semaphore(%arg14 : memref<!tpu.dma_semaphore, #tpu.memory_space<semaphore_mem>>) src(%dma_wait3A_240 : memref<80xi32, #tpu.memory_space<hbm>>) dst(%dma_wait3A_239 : memref<80xi32, #tpu.memory_space<vmem>>)
    %dma_start3A_241 = arith.constant 0 : i32
    %dma_start3A_242 = arith.constant 0 : i32
    %dma_start3A_243 = arith.constant 0 : i32
    %dma_start3A_244 = arith.constant 0 : i32
    %dma_start3A_245 = arith.constant 0 : i32
    %dma_start3A_246 = arith.constant 0 : i32
    %dma_start3A_247 = tpu.memref_slice %arg8[%dma_start3A_243, %dma_start3A_244, %dma_start3A_245, %dma_start3A_246] : memref<2x2x80x128xf32, #tpu.memory_space<vmem>> -> memref<1x1x80x128xf32, #tpu.memory_space<vmem>>
    %dma_start3A_248 = tpu.memref_squeeze %dma_start3A_247 : memref<1x1x80x128xf32, #tpu.memory_space<vmem>> -> memref<80x128xf32, #tpu.memory_space<vmem>>
    %dma_start3A_249 = arith.constant 0 : i32
    %dma_start3A_250 = tpu.memref_slice %arg6[%dma_start3A_241, %dma_start3A_242, %dma_start3A_249] : memref<2x2x80xi32, #tpu.memory_space<vmem>> -> memref<1x1x80xi32, #tpu.memory_space<vmem>>
    %dma_start3A_251 = tpu.memref_squeeze %dma_start3A_250 : memref<1x1x80xi32, #tpu.memory_space<vmem>> -> memref<80xi32, #tpu.memory_space<vmem>>
    %dma_start3A_252 = arith.constant 0 : i32
    %dma_start3A_253 = arith.constant 0 : i32
    %dma_start3A_254 = tpu.memref_slice %arg2[%dma_start3A_252, %dma_start3A_253] : memref<10000x128xf32, #tpu.memory_space<hbm>> -> memref<10000x128xf32, #tpu.memory_space<hbm>>
    tpu.enqueue_indirect_dma source(%dma_start3A_254 : memref<10000x128xf32, #tpu.memory_space<hbm>>) target(%dma_start3A_248 : memref<80x128xf32, #tpu.memory_space<vmem>>) offsets(%dma_start3A_251 : memref<80xi32, #tpu.memory_space<vmem>>) semaphore(%arg12 : memref<!tpu.dma_semaphore, #tpu.memory_space<semaphore_mem>>)
    %dma_start3A_255 = arith.constant 0 : i32
    %dma_start3A_256 = arith.constant 1 : i32
    %dma_start3A_257 = arith.constant 0 : i32
    %dma_start3A_258 = arith.constant 1 : i32
    %dma_start3A_259 = arith.constant 0 : i32
    %dma_start3A_260 = arith.constant 0 : i32
    %dma_start3A_261 = tpu.memref_slice %arg8[%dma_start3A_257, %dma_start3A_258, %dma_start3A_259, %dma_start3A_260] : memref<2x2x80x128xf32, #tpu.memory_space<vmem>> -> memref<1x1x80x128xf32, #tpu.memory_space<vmem>>
    %dma_start3A_262 = tpu.memref_squeeze %dma_start3A_261 : memref<1x1x80x128xf32, #tpu.memory_space<vmem>> -> memref<80x128xf32, #tpu.memory_space<vmem>>
    %dma_start3A_263 = arith.constant 0 : i32
    %dma_start3A_264 = tpu.memref_slice %arg6[%dma_start3A_255, %dma_start3A_256, %dma_start3A_263] : memref<2x2x80xi32, #tpu.memory_space<vmem>> -> memref<1x1x80xi32, #tpu.memory_space<vmem>>
    %dma_start3A_265 = tpu.memref_squeeze %dma_start3A_264 : memref<1x1x80xi32, #tpu.memory_space<vmem>> -> memref<80xi32, #tpu.memory_space<vmem>>
    %dma_start3A_266 = arith.constant 0 : i32
    %dma_start3A_267 = arith.constant 0 : i32
    %dma_start3A_268 = tpu.memref_slice %arg2[%dma_start3A_266, %dma_start3A_267] : memref<10000x128xf32, #tpu.memory_space<hbm>> -> memref<10000x128xf32, #tpu.memory_space<hbm>>
    tpu.enqueue_indirect_dma source(%dma_start3A_268 : memref<10000x128xf32, #tpu.memory_space<hbm>>) target(%dma_start3A_262 : memref<80x128xf32, #tpu.memory_space<vmem>>) offsets(%dma_start3A_265 : memref<80xi32, #tpu.memory_space<vmem>>) semaphore(%arg12 : memref<!tpu.dma_semaphore, #tpu.memory_space<semaphore_mem>>)
    %dma_wait3A_269 = arith.constant 1 : i32
    %dma_wait3A_270 = arith.constant 0 : i32
    %dma_wait3A_271 = arith.constant 0 : i32
    %dma_wait3A_272 = arith.constant 0 : i32
    %dma_wait3A_273 = tpu.memref_slice %arg8[%dma_wait3A_269, %dma_wait3A_270, %dma_wait3A_271, %dma_wait3A_272] : memref<2x2x80x128xf32, #tpu.memory_space<vmem>> -> memref<1x1x80x128xf32, #tpu.memory_space<vmem>>
    %dma_wait3A_274 = tpu.memref_squeeze %dma_wait3A_273 : memref<1x1x80x128xf32, #tpu.memory_space<vmem>> -> memref<80x128xf32, #tpu.memory_space<vmem>>
    %dma_wait3A_275 = arith.constant 0 : i32
    %dma_wait3A_276 = tpu.memref_slice %arg11[%add3A_9, %dma_wait3A_275] : memref<10112x128xf32, #tpu.memory_space<vmem_shared>> -> memref<80x128xf32, #tpu.memory_space<vmem_shared>>
    %dma_wait3A_277 = arith.constant 0 : i32
    %dma_wait3A_278 = tpu.memref_slice %arg11[%add3A_9, %dma_wait3A_277] : memref<10112x128xf32, #tpu.memory_space<vmem_shared>> -> memref<80x128xf32, #tpu.memory_space<vmem_shared>>
    %dma_wait3A_279 = arith.constant 0 : i32
    %dma_wait3A_280 = arith.constant 0 : i32
    %dma_wait3A_281 = tpu.memref_slice %arg8[%dma_wait3A_269, %dma_wait3A_270, %dma_wait3A_279, %dma_wait3A_280] : memref<2x2x80x128xf32, #tpu.memory_space<vmem>> -> memref<1x1x80x128xf32, #tpu.memory_space<vmem>>
    %dma_wait3A_282 = tpu.memref_squeeze %dma_wait3A_281 : memref<1x1x80x128xf32, #tpu.memory_space<vmem>> -> memref<80x128xf32, #tpu.memory_space<vmem>>
    tpu.wait_dma2 semaphore(%arg15 : memref<!tpu.dma_semaphore, #tpu.memory_space<semaphore_mem>>) src(%dma_wait3A_282 : memref<80x128xf32, #tpu.memory_space<vmem>>) dst(%dma_wait3A_278 : memref<80x128xf32, #tpu.memory_space<vmem_shared>>)
    %dma_wait3A_283 = arith.constant 1 : i32
    %dma_wait3A_284 = arith.constant 0 : i32
    %dma_wait3A_285 = arith.constant 0 : i32
    %dma_wait3A_286 = arith.constant 0 : i32
    %dma_wait3A_287 = tpu.memref_slice %arg8[%dma_wait3A_283, %dma_wait3A_284, %dma_wait3A_285, %dma_wait3A_286] : memref<2x2x80x128xf32, #tpu.memory_space<vmem>> -> memref<1x1x80x128xf32, #tpu.memory_space<vmem>>
    %dma_wait3A_288 = tpu.memref_squeeze %dma_wait3A_287 : memref<1x1x80x128xf32, #tpu.memory_space<vmem>> -> memref<80x128xf32, #tpu.memory_space<vmem>>
    %dma_wait3A_289 = arith.constant 0 : i32
    %dma_wait3A_290 = tpu.memref_slice %arg11[%add3A_13, %dma_wait3A_289] : memref<10112x128xf32, #tpu.memory_space<vmem_shared>> -> memref<80x128xf32, #tpu.memory_space<vmem_shared>>
    %dma_wait3A_291 = arith.constant 0 : i32
    %dma_wait3A_292 = tpu.memref_slice %arg11[%add3A_13, %dma_wait3A_291] : memref<10112x128xf32, #tpu.memory_space<vmem_shared>> -> memref<80x128xf32, #tpu.memory_space<vmem_shared>>
    %dma_wait3A_293 = arith.constant 0 : i32
    %dma_wait3A_294 = arith.constant 0 : i32
    %dma_wait3A_295 = tpu.memref_slice %arg8[%dma_wait3A_283, %dma_wait3A_284, %dma_wait3A_293, %dma_wait3A_294] : memref<2x2x80x128xf32, #tpu.memory_space<vmem>> -> memref<1x1x80x128xf32, #tpu.memory_space<vmem>>
    %dma_wait3A_296 = tpu.memref_squeeze %dma_wait3A_295 : memref<1x1x80x128xf32, #tpu.memory_space<vmem>> -> memref<80x128xf32, #tpu.memory_space<vmem>>
    tpu.wait_dma2 semaphore(%arg15 : memref<!tpu.dma_semaphore, #tpu.memory_space<semaphore_mem>>) src(%dma_wait3A_296 : memref<80x128xf32, #tpu.memory_space<vmem>>) dst(%dma_wait3A_292 : memref<80x128xf32, #tpu.memory_space<vmem_shared>>)
    %dma_wait3A_297 = arith.constant 1 : i32
    %dma_wait3A_298 = arith.constant 0 : i32
    %dma_wait3A_299 = arith.constant 0 : i32
    %dma_wait3A_300 = arith.constant 0 : i32
    %dma_wait3A_301 = tpu.memref_slice %arg8[%dma_wait3A_297, %dma_wait3A_298, %dma_wait3A_299, %dma_wait3A_300] : memref<2x2x80x128xf32, #tpu.memory_space<vmem>> -> memref<1x1x80x128xf32, #tpu.memory_space<vmem>>
    %dma_wait3A_302 = tpu.memref_squeeze %dma_wait3A_301 : memref<1x1x80x128xf32, #tpu.memory_space<vmem>> -> memref<80x128xf32, #tpu.memory_space<vmem>>
    %dma_wait3A_303 = arith.constant 0 : i32
    %dma_wait3A_304 = tpu.memref_slice %arg11[%add3A_17, %dma_wait3A_303] : memref<10112x128xf32, #tpu.memory_space<vmem_shared>> -> memref<80x128xf32, #tpu.memory_space<vmem_shared>>
    %dma_wait3A_305 = arith.constant 0 : i32
    %dma_wait3A_306 = tpu.memref_slice %arg11[%add3A_17, %dma_wait3A_305] : memref<10112x128xf32, #tpu.memory_space<vmem_shared>> -> memref<80x128xf32, #tpu.memory_space<vmem_shared>>
    %dma_wait3A_307 = arith.constant 0 : i32
    %dma_wait3A_308 = arith.constant 0 : i32
    %dma_wait3A_309 = tpu.memref_slice %arg8[%dma_wait3A_297, %dma_wait3A_298, %dma_wait3A_307, %dma_wait3A_308] : memref<2x2x80x128xf32, #tpu.memory_space<vmem>> -> memref<1x1x80x128xf32, #tpu.memory_space<vmem>>
    %dma_wait3A_310 = tpu.memref_squeeze %dma_wait3A_309 : memref<1x1x80x128xf32, #tpu.memory_space<vmem>> -> memref<80x128xf32, #tpu.memory_space<vmem>>
    tpu.wait_dma2 semaphore(%arg15 : memref<!tpu.dma_semaphore, #tpu.memory_space<semaphore_mem>>) src(%dma_wait3A_310 : memref<80x128xf32, #tpu.memory_space<vmem>>) dst(%dma_wait3A_306 : memref<80x128xf32, #tpu.memory_space<vmem_shared>>)
    %dma_wait3A_311 = arith.constant 1 : i32
    %dma_wait3A_312 = arith.constant 0 : i32
    %dma_wait3A_313 = arith.constant 0 : i32
    %dma_wait3A_314 = arith.constant 0 : i32
    %dma_wait3A_315 = tpu.memref_slice %arg8[%dma_wait3A_311, %dma_wait3A_312, %dma_wait3A_313, %dma_wait3A_314] : memref<2x2x80x128xf32, #tpu.memory_space<vmem>> -> memref<1x1x80x128xf32, #tpu.memory_space<vmem>>
    %dma_wait3A_316 = tpu.memref_squeeze %dma_wait3A_315 : memref<1x1x80x128xf32, #tpu.memory_space<vmem>> -> memref<80x128xf32, #tpu.memory_space<vmem>>
    %dma_wait3A_317 = arith.constant 0 : i32
    %dma_wait3A_318 = tpu.memref_slice %arg11[%add3A_21, %dma_wait3A_317] : memref<10112x128xf32, #tpu.memory_space<vmem_shared>> -> memref<80x128xf32, #tpu.memory_space<vmem_shared>>
    %dma_wait3A_319 = arith.constant 0 : i32
    %dma_wait3A_320 = tpu.memref_slice %arg11[%add3A_21, %dma_wait3A_319] : memref<10112x128xf32, #tpu.memory_space<vmem_shared>> -> memref<80x128xf32, #tpu.memory_space<vmem_shared>>
    %dma_wait3A_321 = arith.constant 0 : i32
    %dma_wait3A_322 = arith.constant 0 : i32
    %dma_wait3A_323 = tpu.memref_slice %arg8[%dma_wait3A_311, %dma_wait3A_312, %dma_wait3A_321, %dma_wait3A_322] : memref<2x2x80x128xf32, #tpu.memory_space<vmem>> -> memref<1x1x80x128xf32, #tpu.memory_space<vmem>>
    %dma_wait3A_324 = tpu.memref_squeeze %dma_wait3A_323 : memref<1x1x80x128xf32, #tpu.memory_space<vmem>> -> memref<80x128xf32, #tpu.memory_space<vmem>>
    tpu.wait_dma2 semaphore(%arg15 : memref<!tpu.dma_semaphore, #tpu.memory_space<semaphore_mem>>) src(%dma_wait3A_324 : memref<80x128xf32, #tpu.memory_space<vmem>>) dst(%dma_wait3A_320 : memref<80x128xf32, #tpu.memory_space<vmem_shared>>)
    %dma_wait3A_325 = arith.constant 1 : i32
    %dma_wait3A_326 = arith.constant 0 : i32
    %dma_wait3A_327 = arith.constant 0 : i32
    %dma_wait3A_328 = arith.constant 0 : i32
    %dma_wait3A_329 = tpu.memref_slice %arg8[%dma_wait3A_325, %dma_wait3A_326, %dma_wait3A_327, %dma_wait3A_328] : memref<2x2x80x128xf32, #tpu.memory_space<vmem>> -> memref<1x1x80x128xf32, #tpu.memory_space<vmem>>
    %dma_wait3A_330 = tpu.memref_squeeze %dma_wait3A_329 : memref<1x1x80x128xf32, #tpu.memory_space<vmem>> -> memref<80x128xf32, #tpu.memory_space<vmem>>
    %dma_wait3A_331 = arith.constant 0 : i32
    %dma_wait3A_332 = tpu.memref_slice %arg11[%add3A_25, %dma_wait3A_331] : memref<10112x128xf32, #tpu.memory_space<vmem_shared>> -> memref<80x128xf32, #tpu.memory_space<vmem_shared>>
    %dma_wait3A_333 = arith.constant 0 : i32
    %dma_wait3A_334 = tpu.memref_slice %arg11[%add3A_25, %dma_wait3A_333] : memref<10112x128xf32, #tpu.memory_space<vmem_shared>> -> memref<80x128xf32, #tpu.memory_space<vmem_shared>>
    %dma_wait3A_335 = arith.constant 0 : i32
    %dma_wait3A_336 = arith.constant 0 : i32
    %dma_wait3A_337 = tpu.memref_slice %arg8[%dma_wait3A_325, %dma_wait3A_326, %dma_wait3A_335, %dma_wait3A_336] : memref<2x2x80x128xf32, #tpu.memory_space<vmem>> -> memref<1x1x80x128xf32, #tpu.memory_space<vmem>>
    %dma_wait3A_338 = tpu.memref_squeeze %dma_wait3A_337 : memref<1x1x80x128xf32, #tpu.memory_space<vmem>> -> memref<80x128xf32, #tpu.memory_space<vmem>>
    tpu.wait_dma2 semaphore(%arg15 : memref<!tpu.dma_semaphore, #tpu.memory_space<semaphore_mem>>) src(%dma_wait3A_338 : memref<80x128xf32, #tpu.memory_space<vmem>>) dst(%dma_wait3A_334 : memref<80x128xf32, #tpu.memory_space<vmem_shared>>)
    %dma_wait3A_339 = arith.constant 1 : i32
    %dma_wait3A_340 = arith.constant 0 : i32
    %dma_wait3A_341 = arith.constant 0 : i32
    %dma_wait3A_342 = arith.constant 0 : i32
    %dma_wait3A_343 = tpu.memref_slice %arg8[%dma_wait3A_339, %dma_wait3A_340, %dma_wait3A_341, %dma_wait3A_342] : memref<2x2x80x128xf32, #tpu.memory_space<vmem>> -> memref<1x1x80x128xf32, #tpu.memory_space<vmem>>
    %dma_wait3A_344 = tpu.memref_squeeze %dma_wait3A_343 : memref<1x1x80x128xf32, #tpu.memory_space<vmem>> -> memref<80x128xf32, #tpu.memory_space<vmem>>
    %dma_wait3A_345 = arith.constant 0 : i32
    %dma_wait3A_346 = tpu.memref_slice %arg11[%add3A_29, %dma_wait3A_345] : memref<10112x128xf32, #tpu.memory_space<vmem_shared>> -> memref<80x128xf32, #tpu.memory_space<vmem_shared>>
    %dma_wait3A_347 = arith.constant 0 : i32
    %dma_wait3A_348 = tpu.memref_slice %arg11[%add3A_29, %dma_wait3A_347] : memref<10112x128xf32, #tpu.memory_space<vmem_shared>> -> memref<80x128xf32, #tpu.memory_space<vmem_shared>>
    %dma_wait3A_349 = arith.constant 0 : i32
    %dma_wait3A_350 = arith.constant 0 : i32
    %dma_wait3A_351 = tpu.memref_slice %arg8[%dma_wait3A_339, %dma_wait3A_340, %dma_wait3A_349, %dma_wait3A_350] : memref<2x2x80x128xf32, #tpu.memory_space<vmem>> -> memref<1x1x80x128xf32, #tpu.memory_space<vmem>>
    %dma_wait3A_352 = tpu.memref_squeeze %dma_wait3A_351 : memref<1x1x80x128xf32, #tpu.memory_space<vmem>> -> memref<80x128xf32, #tpu.memory_space<vmem>>
    tpu.wait_dma2 semaphore(%arg15 : memref<!tpu.dma_semaphore, #tpu.memory_space<semaphore_mem>>) src(%dma_wait3A_352 : memref<80x128xf32, #tpu.memory_space<vmem>>) dst(%dma_wait3A_348 : memref<80x128xf32, #tpu.memory_space<vmem_shared>>)
    %dma_wait3A_353 = arith.constant 1 : i32
    %dma_wait3A_354 = arith.constant 0 : i32
    %dma_wait3A_355 = arith.constant 0 : i32
    %dma_wait3A_356 = arith.constant 0 : i32
    %dma_wait3A_357 = tpu.memref_slice %arg8[%dma_wait3A_353, %dma_wait3A_354, %dma_wait3A_355, %dma_wait3A_356] : memref<2x2x80x128xf32, #tpu.memory_space<vmem>> -> memref<1x1x80x128xf32, #tpu.memory_space<vmem>>
    %dma_wait3A_358 = tpu.memref_squeeze %dma_wait3A_357 : memref<1x1x80x128xf32, #tpu.memory_space<vmem>> -> memref<80x128xf32, #tpu.memory_space<vmem>>
    %dma_wait3A_359 = arith.constant 0 : i32
    %dma_wait3A_360 = tpu.memref_slice %arg11[%add3A_33, %dma_wait3A_359] : memref<10112x128xf32, #tpu.memory_space<vmem_shared>> -> memref<80x128xf32, #tpu.memory_space<vmem_shared>>
    %dma_wait3A_361 = arith.constant 0 : i32
    %dma_wait3A_362 = tpu.memref_slice %arg11[%add3A_33, %dma_wait3A_361] : memref<10112x128xf32, #tpu.memory_space<vmem_shared>> -> memref<80x128xf32, #tpu.memory_space<vmem_shared>>
    %dma_wait3A_363 = arith.constant 0 : i32
    %dma_wait3A_364 = arith.constant 0 : i32
    %dma_wait3A_365 = tpu.memref_slice %arg8[%dma_wait3A_353, %dma_wait3A_354, %dma_wait3A_363, %dma_wait3A_364] : memref<2x2x80x128xf32, #tpu.memory_space<vmem>> -> memref<1x1x80x128xf32, #tpu.memory_space<vmem>>
    %dma_wait3A_366 = tpu.memref_squeeze %dma_wait3A_365 : memref<1x1x80x128xf32, #tpu.memory_space<vmem>> -> memref<80x128xf32, #tpu.memory_space<vmem>>
    tpu.wait_dma2 semaphore(%arg15 : memref<!tpu.dma_semaphore, #tpu.memory_space<semaphore_mem>>) src(%dma_wait3A_366 : memref<80x128xf32, #tpu.memory_space<vmem>>) dst(%dma_wait3A_362 : memref<80x128xf32, #tpu.memory_space<vmem_shared>>)
    %dma_wait3A_367 = arith.constant 1 : i32
    %dma_wait3A_368 = arith.constant 0 : i32
    %dma_wait3A_369 = arith.constant 0 : i32
    %dma_wait3A_370 = arith.constant 0 : i32
    %dma_wait3A_371 = tpu.memref_slice %arg8[%dma_wait3A_367, %dma_wait3A_368, %dma_wait3A_369, %dma_wait3A_370] : memref<2x2x80x128xf32, #tpu.memory_space<vmem>> -> memref<1x1x72x128xf32, #tpu.memory_space<vmem>>
    %dma_wait3A_372 = tpu.memref_squeeze %dma_wait3A_371 : memref<1x1x72x128xf32, #tpu.memory_space<vmem>> -> memref<72x128xf32, #tpu.memory_space<vmem>>
    %dma_wait3A_373 = arith.constant 0 : i32
    %dma_wait3A_374 = tpu.memref_slice %arg11[%add3A_37, %dma_wait3A_373] : memref<10112x128xf32, #tpu.memory_space<vmem_shared>> -> memref<72x128xf32, #tpu.memory_space<vmem_shared>>
    %dma_wait3A_375 = arith.constant 0 : i32
    %dma_wait3A_376 = tpu.memref_slice %arg11[%add3A_37, %dma_wait3A_375] : memref<10112x128xf32, #tpu.memory_space<vmem_shared>> -> memref<72x128xf32, #tpu.memory_space<vmem_shared>>
    %dma_wait3A_377 = arith.constant 0 : i32
    %dma_wait3A_378 = arith.constant 0 : i32
    %dma_wait3A_379 = tpu.memref_slice %arg8[%dma_wait3A_367, %dma_wait3A_368, %dma_wait3A_377, %dma_wait3A_378] : memref<2x2x80x128xf32, #tpu.memory_space<vmem>> -> memref<1x1x72x128xf32, #tpu.memory_space<vmem>>
    %dma_wait3A_380 = tpu.memref_squeeze %dma_wait3A_379 : memref<1x1x72x128xf32, #tpu.memory_space<vmem>> -> memref<72x128xf32, #tpu.memory_space<vmem>>
    tpu.wait_dma2 semaphore(%arg15 : memref<!tpu.dma_semaphore, #tpu.memory_space<semaphore_mem>>) src(%dma_wait3A_380 : memref<72x128xf32, #tpu.memory_space<vmem>>) dst(%dma_wait3A_376 : memref<72x128xf32, #tpu.memory_space<vmem_shared>>)
    %barrier3A = arith.constant 0 : index
    tpu.barrier barrier_id(%barrier3A)
    %scan3A_381 = arith.constant 0 : i32
    %scan3A_382 = arith.constant 0 : i32
    %scan3A_383 = arith.constant 31 : i32
    %scan3A_384 = arith.addi %scan3A_382, %scan3A_383 : i32
    %scan3A_385 = arith.constant 1 : i32
    scf.for %scan3A_441 = %scan3A_382 to %scan3A_384 step %scan3A_385  : i32 {
      %mul3A_442 = arith.constant 2 : i32
      %mul3A_443 = arith.muli %mul3A_442, %scan3A_441 : i32
      %gt3A = arith.constant 0 : i32
      %gt3A_444 = arith.cmpi sgt, %mul3A_443, %gt3A : i32
      %convert_element_type3A = arith.extui %gt3A_444 : i1 to i32
      %cond3A = arith.constant 0 : i32
      %cond3A_445 = arith.cmpi ne, %convert_element_type3A, %cond3A : i32
      scf.if %cond3A_445 {
        %dma_wait3A_594 = arith.constant 1 : i32
        %dma_wait3A_595 = arith.constant 0 : i32
        %dma_wait3A_596 = arith.constant 1 : i32
        %dma_wait3A_597 = arith.constant 0 : i32
        %dma_wait3A_598 = arith.constant 0 : i32
        %dma_wait3A_599 = arith.constant 0 : i32
        %dma_wait3A_600 = tpu.memref_slice %arg8[%dma_wait3A_594, %dma_wait3A_595, %dma_wait3A_598, %dma_wait3A_599] : memref<2x2x80x128xf32, #tpu.memory_space<vmem>> -> memref<1x1x80x128xf32, #tpu.memory_space<vmem>>
        %dma_wait3A_601 = tpu.memref_squeeze %dma_wait3A_600 : memref<1x1x80x128xf32, #tpu.memory_space<vmem>> -> memref<80x128xf32, #tpu.memory_space<vmem>>
        %dma_wait3A_602 = arith.constant 0 : i32
        %dma_wait3A_603 = tpu.memref_slice %arg7[%dma_wait3A_596, %dma_wait3A_597, %dma_wait3A_602] : memref<2x2x80xi32, #tpu.memory_space<vmem>> -> memref<1x1x80xi32, #tpu.memory_space<vmem>>
        %dma_wait3A_604 = tpu.memref_squeeze %dma_wait3A_603 : memref<1x1x80xi32, #tpu.memory_space<vmem>> -> memref<80xi32, #tpu.memory_space<vmem>>
        %dma_wait3A_605 = arith.constant 0 : i32
        %dma_wait3A_606 = arith.constant 0 : i32
        %dma_wait3A_607 = tpu.memref_slice %arg11[%dma_wait3A_605, %dma_wait3A_606] : memref<10112x128xf32, #tpu.memory_space<vmem_shared>> -> memref<10112x128xf32, #tpu.memory_space<vmem_shared>>
        tpu.wait_indirect_dma semaphore(%arg13 : memref<!tpu.dma_semaphore, #tpu.memory_space<semaphore_mem>>) src(%dma_wait3A_601 : memref<80x128xf32, #tpu.memory_space<vmem>>) dst(%dma_wait3A_607 : memref<10112x128xf32, #tpu.memory_space<vmem_shared>>)
        %dma_wait3A_608 = arith.constant 1 : i32
        %dma_wait3A_609 = arith.constant 1 : i32
        %dma_wait3A_610 = arith.constant 1 : i32
        %dma_wait3A_611 = arith.constant 1 : i32
        %dma_wait3A_612 = arith.constant 0 : i32
        %dma_wait3A_613 = arith.constant 0 : i32
        %dma_wait3A_614 = tpu.memref_slice %arg8[%dma_wait3A_608, %dma_wait3A_609, %dma_wait3A_612, %dma_wait3A_613] : memref<2x2x80x128xf32, #tpu.memory_space<vmem>> -> memref<1x1x80x128xf32, #tpu.memory_space<vmem>>
        %dma_wait3A_615 = tpu.memref_squeeze %dma_wait3A_614 : memref<1x1x80x128xf32, #tpu.memory_space<vmem>> -> memref<80x128xf32, #tpu.memory_space<vmem>>
        %dma_wait3A_616 = arith.constant 0 : i32
        %dma_wait3A_617 = tpu.memref_slice %arg7[%dma_wait3A_610, %dma_wait3A_611, %dma_wait3A_616] : memref<2x2x80xi32, #tpu.memory_space<vmem>> -> memref<1x1x80xi32, #tpu.memory_space<vmem>>
        %dma_wait3A_618 = tpu.memref_squeeze %dma_wait3A_617 : memref<1x1x80xi32, #tpu.memory_space<vmem>> -> memref<80xi32, #tpu.memory_space<vmem>>
        %dma_wait3A_619 = arith.constant 0 : i32
        %dma_wait3A_620 = arith.constant 0 : i32
        %dma_wait3A_621 = tpu.memref_slice %arg11[%dma_wait3A_619, %dma_wait3A_620] : memref<10112x128xf32, #tpu.memory_space<vmem_shared>> -> memref<10112x128xf32, #tpu.memory_space<vmem_shared>>
        tpu.wait_indirect_dma semaphore(%arg13 : memref<!tpu.dma_semaphore, #tpu.memory_space<semaphore_mem>>) src(%dma_wait3A_615 : memref<80x128xf32, #tpu.memory_space<vmem>>) dst(%dma_wait3A_621 : memref<10112x128xf32, #tpu.memory_space<vmem_shared>>)
      } else {
      }
      %add3A_446 = arith.constant 1 : i32
      %add3A_447 = arith.addi %mul3A_443, %add3A_446 : i32
      %lt3A = arith.constant 62 : i32
      %lt3A_448 = arith.cmpi slt, %add3A_447, %lt3A : i32
      %convert_element_type3A_449 = arith.extui %lt3A_448 : i1 to i32
      %cond3A_450 = arith.constant 0 : i32
      %cond3A_451 = arith.cmpi ne, %convert_element_type3A_449, %cond3A_450 : i32
      scf.if %cond3A_451 {
        %add3A_594 = arith.constant 1 : i32
        %add3A_595 = arith.addi %mul3A_443, %add3A_594 : i32
        %mul3A_596 = arith.constant 2 : i32
        %mul3A_597 = arith.muli %add3A_595, %mul3A_596 : i32
        %add3A_598 = arith.constant 0 : i32
        %add3A_599 = arith.addi %mul3A_597, %add3A_598 : i32
        %mul3A_600 = arith.constant 80 : i32
        %mul3A_601 = arith.muli %add3A_599, %mul3A_600 : i32
        %add3A_602 = arith.addi %mul3A_39, %mul3A_601 : i32
        %multiple_of3A_603 = tpu.assume_multiple %add3A_602, 8 : i32
        %mul3A_604 = arith.constant 2 : i32
        %mul3A_605 = arith.muli %add3A_595, %mul3A_604 : i32
        %add3A_606 = arith.constant 1 : i32
        %add3A_607 = arith.addi %mul3A_605, %add3A_606 : i32
        %mul3A_608 = arith.constant 80 : i32
        %mul3A_609 = arith.muli %add3A_607, %mul3A_608 : i32
        %add3A_610 = arith.addi %mul3A_39, %mul3A_609 : i32
        %multiple_of3A_611 = tpu.assume_multiple %add3A_610, 8 : i32
        %dma_start3A_612 = arith.constant 1 : i32
        %dma_start3A_613 = arith.constant 0 : i32
        %dma_start3A_614 = arith.constant 0 : i32
        %dma_start3A_615 = tpu.memref_slice %arg6[%dma_start3A_612, %dma_start3A_613, %dma_start3A_614] : memref<2x2x80xi32, #tpu.memory_space<vmem>> -> memref<1x1x80xi32, #tpu.memory_space<vmem>>
        %dma_start3A_616 = tpu.memref_squeeze %dma_start3A_615 : memref<1x1x80xi32, #tpu.memory_space<vmem>> -> memref<80xi32, #tpu.memory_space<vmem>>
        %dma_start3A_617 = tpu.memref_slice %arg3[%multiple_of3A_603] : memref<320000xi32, #tpu.memory_space<hbm>> -> memref<80xi32, #tpu.memory_space<hbm>>
        %dma_start3A_618 = arith.constant 0 : i32
        %dma_start3A_619 = tpu.memref_slice %arg6[%dma_start3A_612, %dma_start3A_613, %dma_start3A_618] : memref<2x2x80xi32, #tpu.memory_space<vmem>> -> memref<1x1x80xi32, #tpu.memory_space<vmem>>
        %dma_start3A_620 = tpu.memref_squeeze %dma_start3A_619 : memref<1x1x80xi32, #tpu.memory_space<vmem>> -> memref<80xi32, #tpu.memory_space<vmem>>
        %dma_start3A_621 = tpu.memref_slice %arg3[%multiple_of3A_603] : memref<320000xi32, #tpu.memory_space<hbm>> -> memref<80xi32, #tpu.memory_space<hbm>>
        tpu.enqueue_dma source(%dma_start3A_621 : memref<80xi32, #tpu.memory_space<hbm>>) target(%dma_start3A_620 : memref<80xi32, #tpu.memory_space<vmem>>) target_semaphore(%arg14 : memref<!tpu.dma_semaphore, #tpu.memory_space<semaphore_mem>>)
        %dma_start3A_622 = arith.constant 1 : i32
        %dma_start3A_623 = arith.constant 0 : i32
        %dma_start3A_624 = arith.constant 0 : i32
        %dma_start3A_625 = tpu.memref_slice %arg7[%dma_start3A_622, %dma_start3A_623, %dma_start3A_624] : memref<2x2x80xi32, #tpu.memory_space<vmem>> -> memref<1x1x80xi32, #tpu.memory_space<vmem>>
        %dma_start3A_626 = tpu.memref_squeeze %dma_start3A_625 : memref<1x1x80xi32, #tpu.memory_space<vmem>> -> memref<80xi32, #tpu.memory_space<vmem>>
        %dma_start3A_627 = tpu.memref_slice %arg4[%multiple_of3A_603] : memref<320000xi32, #tpu.memory_space<hbm>> -> memref<80xi32, #tpu.memory_space<hbm>>
        %dma_start3A_628 = arith.constant 0 : i32
        %dma_start3A_629 = tpu.memref_slice %arg7[%dma_start3A_622, %dma_start3A_623, %dma_start3A_628] : memref<2x2x80xi32, #tpu.memory_space<vmem>> -> memref<1x1x80xi32, #tpu.memory_space<vmem>>
        %dma_start3A_630 = tpu.memref_squeeze %dma_start3A_629 : memref<1x1x80xi32, #tpu.memory_space<vmem>> -> memref<80xi32, #tpu.memory_space<vmem>>
        %dma_start3A_631 = tpu.memref_slice %arg4[%multiple_of3A_603] : memref<320000xi32, #tpu.memory_space<hbm>> -> memref<80xi32, #tpu.memory_space<hbm>>
        tpu.enqueue_dma source(%dma_start3A_631 : memref<80xi32, #tpu.memory_space<hbm>>) target(%dma_start3A_630 : memref<80xi32, #tpu.memory_space<vmem>>) target_semaphore(%arg14 : memref<!tpu.dma_semaphore, #tpu.memory_space<semaphore_mem>>)
        %dma_start3A_632 = arith.constant 1 : i32
        %dma_start3A_633 = arith.constant 1 : i32
        %dma_start3A_634 = arith.constant 0 : i32
        %dma_start3A_635 = tpu.memref_slice %arg6[%dma_start3A_632, %dma_start3A_633, %dma_start3A_634] : memref<2x2x80xi32, #tpu.memory_space<vmem>> -> memref<1x1x80xi32, #tpu.memory_space<vmem>>
        %dma_start3A_636 = tpu.memref_squeeze %dma_start3A_635 : memref<1x1x80xi32, #tpu.memory_space<vmem>> -> memref<80xi32, #tpu.memory_space<vmem>>
        %dma_start3A_637 = tpu.memref_slice %arg3[%multiple_of3A_611] : memref<320000xi32, #tpu.memory_space<hbm>> -> memref<80xi32, #tpu.memory_space<hbm>>
        %dma_start3A_638 = arith.constant 0 : i32
        %dma_start3A_639 = tpu.memref_slice %arg6[%dma_start3A_632, %dma_start3A_633, %dma_start3A_638] : memref<2x2x80xi32, #tpu.memory_space<vmem>> -> memref<1x1x80xi32, #tpu.memory_space<vmem>>
        %dma_start3A_640 = tpu.memref_squeeze %dma_start3A_639 : memref<1x1x80xi32, #tpu.memory_space<vmem>> -> memref<80xi32, #tpu.memory_space<vmem>>
        %dma_start3A_641 = tpu.memref_slice %arg3[%multiple_of3A_611] : memref<320000xi32, #tpu.memory_space<hbm>> -> memref<80xi32, #tpu.memory_space<hbm>>
        tpu.enqueue_dma source(%dma_start3A_641 : memref<80xi32, #tpu.memory_space<hbm>>) target(%dma_start3A_640 : memref<80xi32, #tpu.memory_space<vmem>>) target_semaphore(%arg14 : memref<!tpu.dma_semaphore, #tpu.memory_space<semaphore_mem>>)
        %dma_start3A_642 = arith.constant 1 : i32
        %dma_start3A_643 = arith.constant 1 : i32
        %dma_start3A_644 = arith.constant 0 : i32
        %dma_start3A_645 = tpu.memref_slice %arg7[%dma_start3A_642, %dma_start3A_643, %dma_start3A_644] : memref<2x2x80xi32, #tpu.memory_space<vmem>> -> memref<1x1x80xi32, #tpu.memory_space<vmem>>
        %dma_start3A_646 = tpu.memref_squeeze %dma_start3A_645 : memref<1x1x80xi32, #tpu.memory_space<vmem>> -> memref<80xi32, #tpu.memory_space<vmem>>
        %dma_start3A_647 = tpu.memref_slice %arg4[%multiple_of3A_611] : memref<320000xi32, #tpu.memory_space<hbm>> -> memref<80xi32, #tpu.memory_space<hbm>>
        %dma_start3A_648 = arith.constant 0 : i32
        %dma_start3A_649 = tpu.memref_slice %arg7[%dma_start3A_642, %dma_start3A_643, %dma_start3A_648] : memref<2x2x80xi32, #tpu.memory_space<vmem>> -> memref<1x1x80xi32, #tpu.memory_space<vmem>>
        %dma_start3A_650 = tpu.memref_squeeze %dma_start3A_649 : memref<1x1x80xi32, #tpu.memory_space<vmem>> -> memref<80xi32, #tpu.memory_space<vmem>>
        %dma_start3A_651 = tpu.memref_slice %arg4[%multiple_of3A_611] : memref<320000xi32, #tpu.memory_space<hbm>> -> memref<80xi32, #tpu.memory_space<hbm>>
        tpu.enqueue_dma source(%dma_start3A_651 : memref<80xi32, #tpu.memory_space<hbm>>) target(%dma_start3A_650 : memref<80xi32, #tpu.memory_space<vmem>>) target_semaphore(%arg14 : memref<!tpu.dma_semaphore, #tpu.memory_space<semaphore_mem>>)
      } else {
      }
      %dma_wait3A_452 = arith.constant 0 : i32
      %dma_wait3A_453 = arith.constant 0 : i32
      %dma_wait3A_454 = arith.constant 0 : i32
      %dma_wait3A_455 = arith.constant 0 : i32
      %dma_wait3A_456 = arith.constant 0 : i32
      %dma_wait3A_457 = arith.constant 0 : i32
      %dma_wait3A_458 = tpu.memref_slice %arg8[%dma_wait3A_454, %dma_wait3A_455, %dma_wait3A_456, %dma_wait3A_457] : memref<2x2x80x128xf32, #tpu.memory_space<vmem>> -> memref<1x1x80x128xf32, #tpu.memory_space<vmem>>
      %dma_wait3A_459 = tpu.memref_squeeze %dma_wait3A_458 : memref<1x1x80x128xf32, #tpu.memory_space<vmem>> -> memref<80x128xf32, #tpu.memory_space<vmem>>
      %dma_wait3A_460 = arith.constant 0 : i32
      %dma_wait3A_461 = tpu.memref_slice %arg6[%dma_wait3A_452, %dma_wait3A_453, %dma_wait3A_460] : memref<2x2x80xi32, #tpu.memory_space<vmem>> -> memref<1x1x80xi32, #tpu.memory_space<vmem>>
      %dma_wait3A_462 = tpu.memref_squeeze %dma_wait3A_461 : memref<1x1x80xi32, #tpu.memory_space<vmem>> -> memref<80xi32, #tpu.memory_space<vmem>>
      %dma_wait3A_463 = arith.constant 0 : i32
      %dma_wait3A_464 = arith.constant 0 : i32
      %dma_wait3A_465 = tpu.memref_slice %arg2[%dma_wait3A_463, %dma_wait3A_464] : memref<10000x128xf32, #tpu.memory_space<hbm>> -> memref<10000x128xf32, #tpu.memory_space<hbm>>
      tpu.wait_indirect_dma semaphore(%arg12 : memref<!tpu.dma_semaphore, #tpu.memory_space<semaphore_mem>>) src(%dma_wait3A_465 : memref<10000x128xf32, #tpu.memory_space<hbm>>) dst(%dma_wait3A_459 : memref<80x128xf32, #tpu.memory_space<vmem>>)
      %dma_wait3A_466 = arith.constant 0 : i32
      %dma_wait3A_467 = arith.constant 1 : i32
      %dma_wait3A_468 = arith.constant 0 : i32
      %dma_wait3A_469 = arith.constant 1 : i32
      %dma_wait3A_470 = arith.constant 0 : i32
      %dma_wait3A_471 = arith.constant 0 : i32
      %dma_wait3A_472 = tpu.memref_slice %arg8[%dma_wait3A_468, %dma_wait3A_469, %dma_wait3A_470, %dma_wait3A_471] : memref<2x2x80x128xf32, #tpu.memory_space<vmem>> -> memref<1x1x80x128xf32, #tpu.memory_space<vmem>>
      %dma_wait3A_473 = tpu.memref_squeeze %dma_wait3A_472 : memref<1x1x80x128xf32, #tpu.memory_space<vmem>> -> memref<80x128xf32, #tpu.memory_space<vmem>>
      %dma_wait3A_474 = arith.constant 0 : i32
      %dma_wait3A_475 = tpu.memref_slice %arg6[%dma_wait3A_466, %dma_wait3A_467, %dma_wait3A_474] : memref<2x2x80xi32, #tpu.memory_space<vmem>> -> memref<1x1x80xi32, #tpu.memory_space<vmem>>
      %dma_wait3A_476 = tpu.memref_squeeze %dma_wait3A_475 : memref<1x1x80xi32, #tpu.memory_space<vmem>> -> memref<80xi32, #tpu.memory_space<vmem>>
      %dma_wait3A_477 = arith.constant 0 : i32
      %dma_wait3A_478 = arith.constant 0 : i32
      %dma_wait3A_479 = tpu.memref_slice %arg2[%dma_wait3A_477, %dma_wait3A_478] : memref<10000x128xf32, #tpu.memory_space<hbm>> -> memref<10000x128xf32, #tpu.memory_space<hbm>>
      tpu.wait_indirect_dma semaphore(%arg12 : memref<!tpu.dma_semaphore, #tpu.memory_space<semaphore_mem>>) src(%dma_wait3A_479 : memref<10000x128xf32, #tpu.memory_space<hbm>>) dst(%dma_wait3A_473 : memref<80x128xf32, #tpu.memory_space<vmem>>)
      %dma_start3A_480 = arith.constant 0 : i32
      %dma_start3A_481 = arith.constant 0 : i32
      %dma_start3A_482 = arith.constant 0 : i32
      %dma_start3A_483 = arith.constant 0 : i32
      %dma_start3A_484 = arith.constant 0 : i32
      %dma_start3A_485 = arith.constant 0 : i32
      %dma_start3A_486 = tpu.memref_slice %arg8[%dma_start3A_480, %dma_start3A_481, %dma_start3A_484, %dma_start3A_485] : memref<2x2x80x128xf32, #tpu.memory_space<vmem>> -> memref<1x1x80x128xf32, #tpu.memory_space<vmem>>
      %dma_start3A_487 = tpu.memref_squeeze %dma_start3A_486 : memref<1x1x80x128xf32, #tpu.memory_space<vmem>> -> memref<80x128xf32, #tpu.memory_space<vmem>>
      %dma_start3A_488 = arith.constant 0 : i32
      %dma_start3A_489 = tpu.memref_slice %arg7[%dma_start3A_482, %dma_start3A_483, %dma_start3A_488] : memref<2x2x80xi32, #tpu.memory_space<vmem>> -> memref<1x1x80xi32, #tpu.memory_space<vmem>>
      %dma_start3A_490 = tpu.memref_squeeze %dma_start3A_489 : memref<1x1x80xi32, #tpu.memory_space<vmem>> -> memref<80xi32, #tpu.memory_space<vmem>>
      %dma_start3A_491 = arith.constant 0 : i32
      %dma_start3A_492 = arith.constant 0 : i32
      %dma_start3A_493 = tpu.memref_slice %arg11[%dma_start3A_491, %dma_start3A_492] : memref<10112x128xf32, #tpu.memory_space<vmem_shared>> -> memref<10112x128xf32, #tpu.memory_space<vmem_shared>>
      tpu.enqueue_indirect_dma source(%dma_start3A_487 : memref<80x128xf32, #tpu.memory_space<vmem>>) target(%dma_start3A_493 : memref<10112x128xf32, #tpu.memory_space<vmem_shared>>) offsets(%dma_start3A_490 : memref<80xi32, #tpu.memory_space<vmem>>) semaphore(%arg13 : memref<!tpu.dma_semaphore, #tpu.memory_space<semaphore_mem>>) {add = true}
      %dma_start3A_494 = arith.constant 0 : i32
      %dma_start3A_495 = arith.constant 1 : i32
      %dma_start3A_496 = arith.constant 0 : i32
      %dma_start3A_497 = arith.constant 1 : i32
      %dma_start3A_498 = arith.constant 0 : i32
      %dma_start3A_499 = arith.constant 0 : i32
      %dma_start3A_500 = tpu.memref_slice %arg8[%dma_start3A_494, %dma_start3A_495, %dma_start3A_498, %dma_start3A_499] : memref<2x2x80x128xf32, #tpu.memory_space<vmem>> -> memref<1x1x80x128xf32, #tpu.memory_space<vmem>>
      %dma_start3A_501 = tpu.memref_squeeze %dma_start3A_500 : memref<1x1x80x128xf32, #tpu.memory_space<vmem>> -> memref<80x128xf32, #tpu.memory_space<vmem>>
      %dma_start3A_502 = arith.constant 0 : i32
      %dma_start3A_503 = tpu.memref_slice %arg7[%dma_start3A_496, %dma_start3A_497, %dma_start3A_502] : memref<2x2x80xi32, #tpu.memory_space<vmem>> -> memref<1x1x80xi32, #tpu.memory_space<vmem>>
      %dma_start3A_504 = tpu.memref_squeeze %dma_start3A_503 : memref<1x1x80xi32, #tpu.memory_space<vmem>> -> memref<80xi32, #tpu.memory_space<vmem>>
      %dma_start3A_505 = arith.constant 0 : i32
      %dma_start3A_506 = arith.constant 0 : i32
      %dma_start3A_507 = tpu.memref_slice %arg11[%dma_start3A_505, %dma_start3A_506] : memref<10112x128xf32, #tpu.memory_space<vmem_shared>> -> memref<10112x128xf32, #tpu.memory_space<vmem_shared>>
      tpu.enqueue_indirect_dma source(%dma_start3A_501 : memref<80x128xf32, #tpu.memory_space<vmem>>) target(%dma_start3A_507 : memref<10112x128xf32, #tpu.memory_space<vmem_shared>>) offsets(%dma_start3A_504 : memref<80xi32, #tpu.memory_space<vmem>>) semaphore(%arg13 : memref<!tpu.dma_semaphore, #tpu.memory_space<semaphore_mem>>) {add = true}
      %add3A_508 = arith.constant 1 : i32
      %add3A_509 = arith.addi %mul3A_443, %add3A_508 : i32
      %lt3A_510 = arith.constant 62 : i32
      %lt3A_511 = arith.cmpi slt, %add3A_509, %lt3A_510 : i32
      %convert_element_type3A_512 = arith.extui %lt3A_511 : i1 to i32
      %cond3A_513 = arith.constant 0 : i32
      %cond3A_514 = arith.cmpi ne, %convert_element_type3A_512, %cond3A_513 : i32
      scf.if %cond3A_514 {
        %add3A_594 = arith.constant 1 : i32
        %add3A_595 = arith.addi %mul3A_443, %add3A_594 : i32
        %mul3A_596 = arith.constant 2 : i32
        %mul3A_597 = arith.muli %add3A_595, %mul3A_596 : i32
        %add3A_598 = arith.constant 0 : i32
        %add3A_599 = arith.addi %mul3A_597, %add3A_598 : i32
        %mul3A_600 = arith.constant 80 : i32
        %mul3A_601 = arith.muli %add3A_599, %mul3A_600 : i32
        %add3A_602 = arith.addi %mul3A_39, %mul3A_601 : i32
        %multiple_of3A_603 = tpu.assume_multiple %add3A_602, 8 : i32
        %mul3A_604 = arith.constant 2 : i32
        %mul3A_605 = arith.muli %add3A_595, %mul3A_604 : i32
        %add3A_606 = arith.constant 1 : i32
        %add3A_607 = arith.addi %mul3A_605, %add3A_606 : i32
        %mul3A_608 = arith.constant 80 : i32
        %mul3A_609 = arith.muli %add3A_607, %mul3A_608 : i32
        %add3A_610 = arith.addi %mul3A_39, %mul3A_609 : i32
        %multiple_of3A_611 = tpu.assume_multiple %add3A_610, 8 : i32
        %dma_wait3A_612 = arith.constant 1 : i32
        %dma_wait3A_613 = arith.constant 0 : i32
        %dma_wait3A_614 = arith.constant 0 : i32
        %dma_wait3A_615 = tpu.memref_slice %arg6[%dma_wait3A_612, %dma_wait3A_613, %dma_wait3A_614] : memref<2x2x80xi32, #tpu.memory_space<vmem>> -> memref<1x1x80xi32, #tpu.memory_space<vmem>>
        %dma_wait3A_616 = tpu.memref_squeeze %dma_wait3A_615 : memref<1x1x80xi32, #tpu.memory_space<vmem>> -> memref<80xi32, #tpu.memory_space<vmem>>
        %dma_wait3A_617 = tpu.memref_slice %arg3[%multiple_of3A_603] : memref<320000xi32, #tpu.memory_space<hbm>> -> memref<80xi32, #tpu.memory_space<hbm>>
        %dma_wait3A_618 = arith.constant 0 : i32
        %dma_wait3A_619 = tpu.memref_slice %arg6[%dma_wait3A_612, %dma_wait3A_613, %dma_wait3A_618] : memref<2x2x80xi32, #tpu.memory_space<vmem>> -> memref<1x1x80xi32, #tpu.memory_space<vmem>>
        %dma_wait3A_620 = tpu.memref_squeeze %dma_wait3A_619 : memref<1x1x80xi32, #tpu.memory_space<vmem>> -> memref<80xi32, #tpu.memory_space<vmem>>
        %dma_wait3A_621 = tpu.memref_slice %arg3[%multiple_of3A_603] : memref<320000xi32, #tpu.memory_space<hbm>> -> memref<80xi32, #tpu.memory_space<hbm>>
        tpu.wait_dma2 semaphore(%arg14 : memref<!tpu.dma_semaphore, #tpu.memory_space<semaphore_mem>>) src(%dma_wait3A_621 : memref<80xi32, #tpu.memory_space<hbm>>) dst(%dma_wait3A_620 : memref<80xi32, #tpu.memory_space<vmem>>)
        %dma_wait3A_622 = arith.constant 1 : i32
        %dma_wait3A_623 = arith.constant 0 : i32
        %dma_wait3A_624 = arith.constant 0 : i32
        %dma_wait3A_625 = tpu.memref_slice %arg7[%dma_wait3A_622, %dma_wait3A_623, %dma_wait3A_624] : memref<2x2x80xi32, #tpu.memory_space<vmem>> -> memref<1x1x80xi32, #tpu.memory_space<vmem>>
        %dma_wait3A_626 = tpu.memref_squeeze %dma_wait3A_625 : memref<1x1x80xi32, #tpu.memory_space<vmem>> -> memref<80xi32, #tpu.memory_space<vmem>>
        %dma_wait3A_627 = tpu.memref_slice %arg4[%multiple_of3A_603] : memref<320000xi32, #tpu.memory_space<hbm>> -> memref<80xi32, #tpu.memory_space<hbm>>
        %dma_wait3A_628 = arith.constant 0 : i32
        %dma_wait3A_629 = tpu.memref_slice %arg7[%dma_wait3A_622, %dma_wait3A_623, %dma_wait3A_628] : memref<2x2x80xi32, #tpu.memory_space<vmem>> -> memref<1x1x80xi32, #tpu.memory_space<vmem>>
        %dma_wait3A_630 = tpu.memref_squeeze %dma_wait3A_629 : memref<1x1x80xi32, #tpu.memory_space<vmem>> -> memref<80xi32, #tpu.memory_space<vmem>>
        %dma_wait3A_631 = tpu.memref_slice %arg4[%multiple_of3A_603] : memref<320000xi32, #tpu.memory_space<hbm>> -> memref<80xi32, #tpu.memory_space<hbm>>
        tpu.wait_dma2 semaphore(%arg14 : memref<!tpu.dma_semaphore, #tpu.memory_space<semaphore_mem>>) src(%dma_wait3A_631 : memref<80xi32, #tpu.memory_space<hbm>>) dst(%dma_wait3A_630 : memref<80xi32, #tpu.memory_space<vmem>>)
        %dma_wait3A_632 = arith.constant 1 : i32
        %dma_wait3A_633 = arith.constant 1 : i32
        %dma_wait3A_634 = arith.constant 0 : i32
        %dma_wait3A_635 = tpu.memref_slice %arg6[%dma_wait3A_632, %dma_wait3A_633, %dma_wait3A_634] : memref<2x2x80xi32, #tpu.memory_space<vmem>> -> memref<1x1x80xi32, #tpu.memory_space<vmem>>
        %dma_wait3A_636 = tpu.memref_squeeze %dma_wait3A_635 : memref<1x1x80xi32, #tpu.memory_space<vmem>> -> memref<80xi32, #tpu.memory_space<vmem>>
        %dma_wait3A_637 = tpu.memref_slice %arg3[%multiple_of3A_611] : memref<320000xi32, #tpu.memory_space<hbm>> -> memref<80xi32, #tpu.memory_space<hbm>>
        %dma_wait3A_638 = arith.constant 0 : i32
        %dma_wait3A_639 = tpu.memref_slice %arg6[%dma_wait3A_632, %dma_wait3A_633, %dma_wait3A_638] : memref<2x2x80xi32, #tpu.memory_space<vmem>> -> memref<1x1x80xi32, #tpu.memory_space<vmem>>
        %dma_wait3A_640 = tpu.memref_squeeze %dma_wait3A_639 : memref<1x1x80xi32, #tpu.memory_space<vmem>> -> memref<80xi32, #tpu.memory_space<vmem>>
        %dma_wait3A_641 = tpu.memref_slice %arg3[%multiple_of3A_611] : memref<320000xi32, #tpu.memory_space<hbm>> -> memref<80xi32, #tpu.memory_space<hbm>>
        tpu.wait_dma2 semaphore(%arg14 : memref<!tpu.dma_semaphore, #tpu.memory_space<semaphore_mem>>) src(%dma_wait3A_641 : memref<80xi32, #tpu.memory_space<hbm>>) dst(%dma_wait3A_640 : memref<80xi32, #tpu.memory_space<vmem>>)
        %dma_wait3A_642 = arith.constant 1 : i32
        %dma_wait3A_643 = arith.constant 1 : i32
        %dma_wait3A_644 = arith.constant 0 : i32
        %dma_wait3A_645 = tpu.memref_slice %arg7[%dma_wait3A_642, %dma_wait3A_643, %dma_wait3A_644] : memref<2x2x80xi32, #tpu.memory_space<vmem>> -> memref<1x1x80xi32, #tpu.memory_space<vmem>>
        %dma_wait3A_646 = tpu.memref_squeeze %dma_wait3A_645 : memref<1x1x80xi32, #tpu.memory_space<vmem>> -> memref<80xi32, #tpu.memory_space<vmem>>
        %dma_wait3A_647 = tpu.memref_slice %arg4[%multiple_of3A_611] : memref<320000xi32, #tpu.memory_space<hbm>> -> memref<80xi32, #tpu.memory_space<hbm>>
        %dma_wait3A_648 = arith.constant 0 : i32
        %dma_wait3A_649 = tpu.memref_slice %arg7[%dma_wait3A_642, %dma_wait3A_643, %dma_wait3A_648] : memref<2x2x80xi32, #tpu.memory_space<vmem>> -> memref<1x1x80xi32, #tpu.memory_space<vmem>>
        %dma_wait3A_650 = tpu.memref_squeeze %dma_wait3A_649 : memref<1x1x80xi32, #tpu.memory_space<vmem>> -> memref<80xi32, #tpu.memory_space<vmem>>
        %dma_wait3A_651 = tpu.memref_slice %arg4[%multiple_of3A_611] : memref<320000xi32, #tpu.memory_space<hbm>> -> memref<80xi32, #tpu.memory_space<hbm>>
        tpu.wait_dma2 semaphore(%arg14 : memref<!tpu.dma_semaphore, #tpu.memory_space<semaphore_mem>>) src(%dma_wait3A_651 : memref<80xi32, #tpu.memory_space<hbm>>) dst(%dma_wait3A_650 : memref<80xi32, #tpu.memory_space<vmem>>)
        %dma_start3A_652 = arith.constant 1 : i32
        %dma_start3A_653 = arith.constant 0 : i32
        %dma_start3A_654 = arith.constant 1 : i32
        %dma_start3A_655 = arith.constant 0 : i32
        %dma_start3A_656 = arith.constant 0 : i32
        %dma_start3A_657 = arith.constant 0 : i32
        %dma_start3A_658 = tpu.memref_slice %arg8[%dma_start3A_654, %dma_start3A_655, %dma_start3A_656, %dma_start3A_657] : memref<2x2x80x128xf32, #tpu.memory_space<vmem>> -> memref<1x1x80x128xf32, #tpu.memory_space<vmem>>
        %dma_start3A_659 = tpu.memref_squeeze %dma_start3A_658 : memref<1x1x80x128xf32, #tpu.memory_space<vmem>> -> memref<80x128xf32, #tpu.memory_space<vmem>>
        %dma_start3A_660 = arith.constant 0 : i32
        %dma_start3A_661 = tpu.memref_slice %arg6[%dma_start3A_652, %dma_start3A_653, %dma_start3A_660] : memref<2x2x80xi32, #tpu.memory_space<vmem>> -> memref<1x1x80xi32, #tpu.memory_space<vmem>>
        %dma_start3A_662 = tpu.memref_squeeze %dma_start3A_661 : memref<1x1x80xi32, #tpu.memory_space<vmem>> -> memref<80xi32, #tpu.memory_space<vmem>>
        %dma_start3A_663 = arith.constant 0 : i32
        %dma_start3A_664 = arith.constant 0 : i32
        %dma_start3A_665 = tpu.memref_slice %arg2[%dma_start3A_663, %dma_start3A_664] : memref<10000x128xf32, #tpu.memory_space<hbm>> -> memref<10000x128xf32, #tpu.memory_space<hbm>>
        tpu.enqueue_indirect_dma source(%dma_start3A_665 : memref<10000x128xf32, #tpu.memory_space<hbm>>) target(%dma_start3A_659 : memref<80x128xf32, #tpu.memory_space<vmem>>) offsets(%dma_start3A_662 : memref<80xi32, #tpu.memory_space<vmem>>) semaphore(%arg12 : memref<!tpu.dma_semaphore, #tpu.memory_space<semaphore_mem>>)
        %dma_start3A_666 = arith.constant 1 : i32
        %dma_start3A_667 = arith.constant 1 : i32
        %dma_start3A_668 = arith.constant 1 : i32
        %dma_start3A_669 = arith.constant 1 : i32
        %dma_start3A_670 = arith.constant 0 : i32
        %dma_start3A_671 = arith.constant 0 : i32
        %dma_start3A_672 = tpu.memref_slice %arg8[%dma_start3A_668, %dma_start3A_669, %dma_start3A_670, %dma_start3A_671] : memref<2x2x80x128xf32, #tpu.memory_space<vmem>> -> memref<1x1x80x128xf32, #tpu.memory_space<vmem>>
        %dma_start3A_673 = tpu.memref_squeeze %dma_start3A_672 : memref<1x1x80x128xf32, #tpu.memory_space<vmem>> -> memref<80x128xf32, #tpu.memory_space<vmem>>
        %dma_start3A_674 = arith.constant 0 : i32
        %dma_start3A_675 = tpu.memref_slice %arg6[%dma_start3A_666, %dma_start3A_667, %dma_start3A_674] : memref<2x2x80xi32, #tpu.memory_space<vmem>> -> memref<1x1x80xi32, #tpu.memory_space<vmem>>
        %dma_start3A_676 = tpu.memref_squeeze %dma_start3A_675 : memref<1x1x80xi32, #tpu.memory_space<vmem>> -> memref<80xi32, #tpu.memory_space<vmem>>
        %dma_start3A_677 = arith.constant 0 : i32
        %dma_start3A_678 = arith.constant 0 : i32
        %dma_start3A_679 = tpu.memref_slice %arg2[%dma_start3A_677, %dma_start3A_678] : memref<10000x128xf32, #tpu.memory_space<hbm>> -> memref<10000x128xf32, #tpu.memory_space<hbm>>
        tpu.enqueue_indirect_dma source(%dma_start3A_679 : memref<10000x128xf32, #tpu.memory_space<hbm>>) target(%dma_start3A_673 : memref<80x128xf32, #tpu.memory_space<vmem>>) offsets(%dma_start3A_676 : memref<80xi32, #tpu.memory_space<vmem>>) semaphore(%arg12 : memref<!tpu.dma_semaphore, #tpu.memory_space<semaphore_mem>>)
      } else {
      }
      %mul3A_515 = arith.constant 2 : i32
      %mul3A_516 = arith.muli %mul3A_515, %scan3A_441 : i32
      %add3A_517 = arith.constant 1 : i32
      %add3A_518 = arith.addi %mul3A_516, %add3A_517 : i32
      %gt3A_519 = arith.constant 0 : i32
      %gt3A_520 = arith.cmpi sgt, %add3A_518, %gt3A_519 : i32
      %convert_element_type3A_521 = arith.extui %gt3A_520 : i1 to i32
      %cond3A_522 = arith.constant 0 : i32
      %cond3A_523 = arith.cmpi ne, %convert_element_type3A_521, %cond3A_522 : i32
      scf.if %cond3A_523 {
        %dma_wait3A_594 = arith.constant 0 : i32
        %dma_wait3A_595 = arith.constant 0 : i32
        %dma_wait3A_596 = arith.constant 0 : i32
        %dma_wait3A_597 = arith.constant 0 : i32
        %dma_wait3A_598 = arith.constant 0 : i32
        %dma_wait3A_599 = arith.constant 0 : i32
        %dma_wait3A_600 = tpu.memref_slice %arg8[%dma_wait3A_594, %dma_wait3A_595, %dma_wait3A_598, %dma_wait3A_599] : memref<2x2x80x128xf32, #tpu.memory_space<vmem>> -> memref<1x1x80x128xf32, #tpu.memory_space<vmem>>
        %dma_wait3A_601 = tpu.memref_squeeze %dma_wait3A_600 : memref<1x1x80x128xf32, #tpu.memory_space<vmem>> -> memref<80x128xf32, #tpu.memory_space<vmem>>
        %dma_wait3A_602 = arith.constant 0 : i32
        %dma_wait3A_603 = tpu.memref_slice %arg7[%dma_wait3A_596, %dma_wait3A_597, %dma_wait3A_602] : memref<2x2x80xi32, #tpu.memory_space<vmem>> -> memref<1x1x80xi32, #tpu.memory_space<vmem>>
        %dma_wait3A_604 = tpu.memref_squeeze %dma_wait3A_603 : memref<1x1x80xi32, #tpu.memory_space<vmem>> -> memref<80xi32, #tpu.memory_space<vmem>>
        %dma_wait3A_605 = arith.constant 0 : i32
        %dma_wait3A_606 = arith.constant 0 : i32
        %dma_wait3A_607 = tpu.memref_slice %arg11[%dma_wait3A_605, %dma_wait3A_606] : memref<10112x128xf32, #tpu.memory_space<vmem_shared>> -> memref<10112x128xf32, #tpu.memory_space<vmem_shared>>
        tpu.wait_indirect_dma semaphore(%arg13 : memref<!tpu.dma_semaphore, #tpu.memory_space<semaphore_mem>>) src(%dma_wait3A_601 : memref<80x128xf32, #tpu.memory_space<vmem>>) dst(%dma_wait3A_607 : memref<10112x128xf32, #tpu.memory_space<vmem_shared>>)
        %dma_wait3A_608 = arith.constant 0 : i32
        %dma_wait3A_609 = arith.constant 1 : i32
        %dma_wait3A_610 = arith.constant 0 : i32
        %dma_wait3A_611 = arith.constant 1 : i32
        %dma_wait3A_612 = arith.constant 0 : i32
        %dma_wait3A_613 = arith.constant 0 : i32
        %dma_wait3A_614 = tpu.memref_slice %arg8[%dma_wait3A_608, %dma_wait3A_609, %dma_wait3A_612, %dma_wait3A_613] : memref<2x2x80x128xf32, #tpu.memory_space<vmem>> -> memref<1x1x80x128xf32, #tpu.memory_space<vmem>>
        %dma_wait3A_615 = tpu.memref_squeeze %dma_wait3A_614 : memref<1x1x80x128xf32, #tpu.memory_space<vmem>> -> memref<80x128xf32, #tpu.memory_space<vmem>>
        %dma_wait3A_616 = arith.constant 0 : i32
        %dma_wait3A_617 = tpu.memref_slice %arg7[%dma_wait3A_610, %dma_wait3A_611, %dma_wait3A_616] : memref<2x2x80xi32, #tpu.memory_space<vmem>> -> memref<1x1x80xi32, #tpu.memory_space<vmem>>
        %dma_wait3A_618 = tpu.memref_squeeze %dma_wait3A_617 : memref<1x1x80xi32, #tpu.memory_space<vmem>> -> memref<80xi32, #tpu.memory_space<vmem>>
        %dma_wait3A_619 = arith.constant 0 : i32
        %dma_wait3A_620 = arith.constant 0 : i32
        %dma_wait3A_621 = tpu.memref_slice %arg11[%dma_wait3A_619, %dma_wait3A_620] : memref<10112x128xf32, #tpu.memory_space<vmem_shared>> -> memref<10112x128xf32, #tpu.memory_space<vmem_shared>>
        tpu.wait_indirect_dma semaphore(%arg13 : memref<!tpu.dma_semaphore, #tpu.memory_space<semaphore_mem>>) src(%dma_wait3A_615 : memref<80x128xf32, #tpu.memory_space<vmem>>) dst(%dma_wait3A_621 : memref<10112x128xf32, #tpu.memory_space<vmem_shared>>)
      } else {
      }
      %add3A_524 = arith.constant 1 : i32
      %add3A_525 = arith.addi %add3A_518, %add3A_524 : i32
      %lt3A_526 = arith.constant 62 : i32
      %lt3A_527 = arith.cmpi slt, %add3A_525, %lt3A_526 : i32
      %convert_element_type3A_528 = arith.extui %lt3A_527 : i1 to i32
      %cond3A_529 = arith.constant 0 : i32
      %cond3A_530 = arith.cmpi ne, %convert_element_type3A_528, %cond3A_529 : i32
      scf.if %cond3A_530 {
        %add3A_594 = arith.constant 1 : i32
        %add3A_595 = arith.addi %add3A_518, %add3A_594 : i32
        %mul3A_596 = arith.constant 2 : i32
        %mul3A_597 = arith.muli %add3A_595, %mul3A_596 : i32
        %add3A_598 = arith.constant 0 : i32
        %add3A_599 = arith.addi %mul3A_597, %add3A_598 : i32
        %mul3A_600 = arith.constant 80 : i32
        %mul3A_601 = arith.muli %add3A_599, %mul3A_600 : i32
        %add3A_602 = arith.addi %mul3A_39, %mul3A_601 : i32
        %multiple_of3A_603 = tpu.assume_multiple %add3A_602, 8 : i32
        %mul3A_604 = arith.constant 2 : i32
        %mul3A_605 = arith.muli %add3A_595, %mul3A_604 : i32
        %add3A_606 = arith.constant 1 : i32
        %add3A_607 = arith.addi %mul3A_605, %add3A_606 : i32
        %mul3A_608 = arith.constant 80 : i32
        %mul3A_609 = arith.muli %add3A_607, %mul3A_608 : i32
        %add3A_610 = arith.addi %mul3A_39, %mul3A_609 : i32
        %multiple_of3A_611 = tpu.assume_multiple %add3A_610, 8 : i32
        %dma_start3A_612 = arith.constant 0 : i32
        %dma_start3A_613 = arith.constant 0 : i32
        %dma_start3A_614 = arith.constant 0 : i32
        %dma_start3A_615 = tpu.memref_slice %arg6[%dma_start3A_612, %dma_start3A_613, %dma_start3A_614] : memref<2x2x80xi32, #tpu.memory_space<vmem>> -> memref<1x1x80xi32, #tpu.memory_space<vmem>>
        %dma_start3A_616 = tpu.memref_squeeze %dma_start3A_615 : memref<1x1x80xi32, #tpu.memory_space<vmem>> -> memref<80xi32, #tpu.memory_space<vmem>>
        %dma_start3A_617 = tpu.memref_slice %arg3[%multiple_of3A_603] : memref<320000xi32, #tpu.memory_space<hbm>> -> memref<80xi32, #tpu.memory_space<hbm>>
        %dma_start3A_618 = arith.constant 0 : i32
        %dma_start3A_619 = tpu.memref_slice %arg6[%dma_start3A_612, %dma_start3A_613, %dma_start3A_618] : memref<2x2x80xi32, #tpu.memory_space<vmem>> -> memref<1x1x80xi32, #tpu.memory_space<vmem>>
        %dma_start3A_620 = tpu.memref_squeeze %dma_start3A_619 : memref<1x1x80xi32, #tpu.memory_space<vmem>> -> memref<80xi32, #tpu.memory_space<vmem>>
        %dma_start3A_621 = tpu.memref_slice %arg3[%multiple_of3A_603] : memref<320000xi32, #tpu.memory_space<hbm>> -> memref<80xi32, #tpu.memory_space<hbm>>
        tpu.enqueue_dma source(%dma_start3A_621 : memref<80xi32, #tpu.memory_space<hbm>>) target(%dma_start3A_620 : memref<80xi32, #tpu.memory_space<vmem>>) target_semaphore(%arg14 : memref<!tpu.dma_semaphore, #tpu.memory_space<semaphore_mem>>)
        %dma_start3A_622 = arith.constant 0 : i32
        %dma_start3A_623 = arith.constant 0 : i32
        %dma_start3A_624 = arith.constant 0 : i32
        %dma_start3A_625 = tpu.memref_slice %arg7[%dma_start3A_622, %dma_start3A_623, %dma_start3A_624] : memref<2x2x80xi32, #tpu.memory_space<vmem>> -> memref<1x1x80xi32, #tpu.memory_space<vmem>>
        %dma_start3A_626 = tpu.memref_squeeze %dma_start3A_625 : memref<1x1x80xi32, #tpu.memory_space<vmem>> -> memref<80xi32, #tpu.memory_space<vmem>>
        %dma_start3A_627 = tpu.memref_slice %arg4[%multiple_of3A_603] : memref<320000xi32, #tpu.memory_space<hbm>> -> memref<80xi32, #tpu.memory_space<hbm>>
        %dma_start3A_628 = arith.constant 0 : i32
        %dma_start3A_629 = tpu.memref_slice %arg7[%dma_start3A_622, %dma_start3A_623, %dma_start3A_628] : memref<2x2x80xi32, #tpu.memory_space<vmem>> -> memref<1x1x80xi32, #tpu.memory_space<vmem>>
        %dma_start3A_630 = tpu.memref_squeeze %dma_start3A_629 : memref<1x1x80xi32, #tpu.memory_space<vmem>> -> memref<80xi32, #tpu.memory_space<vmem>>
        %dma_start3A_631 = tpu.memref_slice %arg4[%multiple_of3A_603] : memref<320000xi32, #tpu.memory_space<hbm>> -> memref<80xi32, #tpu.memory_space<hbm>>
        tpu.enqueue_dma source(%dma_start3A_631 : memref<80xi32, #tpu.memory_space<hbm>>) target(%dma_start3A_630 : memref<80xi32, #tpu.memory_space<vmem>>) target_semaphore(%arg14 : memref<!tpu.dma_semaphore, #tpu.memory_space<semaphore_mem>>)
        %dma_start3A_632 = arith.constant 0 : i32
        %dma_start3A_633 = arith.constant 1 : i32
        %dma_start3A_634 = arith.constant 0 : i32
        %dma_start3A_635 = tpu.memref_slice %arg6[%dma_start3A_632, %dma_start3A_633, %dma_start3A_634] : memref<2x2x80xi32, #tpu.memory_space<vmem>> -> memref<1x1x80xi32, #tpu.memory_space<vmem>>
        %dma_start3A_636 = tpu.memref_squeeze %dma_start3A_635 : memref<1x1x80xi32, #tpu.memory_space<vmem>> -> memref<80xi32, #tpu.memory_space<vmem>>
        %dma_start3A_637 = tpu.memref_slice %arg3[%multiple_of3A_611] : memref<320000xi32, #tpu.memory_space<hbm>> -> memref<80xi32, #tpu.memory_space<hbm>>
        %dma_start3A_638 = arith.constant 0 : i32
        %dma_start3A_639 = tpu.memref_slice %arg6[%dma_start3A_632, %dma_start3A_633, %dma_start3A_638] : memref<2x2x80xi32, #tpu.memory_space<vmem>> -> memref<1x1x80xi32, #tpu.memory_space<vmem>>
        %dma_start3A_640 = tpu.memref_squeeze %dma_start3A_639 : memref<1x1x80xi32, #tpu.memory_space<vmem>> -> memref<80xi32, #tpu.memory_space<vmem>>
        %dma_start3A_641 = tpu.memref_slice %arg3[%multiple_of3A_611] : memref<320000xi32, #tpu.memory_space<hbm>> -> memref<80xi32, #tpu.memory_space<hbm>>
        tpu.enqueue_dma source(%dma_start3A_641 : memref<80xi32, #tpu.memory_space<hbm>>) target(%dma_start3A_640 : memref<80xi32, #tpu.memory_space<vmem>>) target_semaphore(%arg14 : memref<!tpu.dma_semaphore, #tpu.memory_space<semaphore_mem>>)
        %dma_start3A_642 = arith.constant 0 : i32
        %dma_start3A_643 = arith.constant 1 : i32
        %dma_start3A_644 = arith.constant 0 : i32
        %dma_start3A_645 = tpu.memref_slice %arg7[%dma_start3A_642, %dma_start3A_643, %dma_start3A_644] : memref<2x2x80xi32, #tpu.memory_space<vmem>> -> memref<1x1x80xi32, #tpu.memory_space<vmem>>
        %dma_start3A_646 = tpu.memref_squeeze %dma_start3A_645 : memref<1x1x80xi32, #tpu.memory_space<vmem>> -> memref<80xi32, #tpu.memory_space<vmem>>
        %dma_start3A_647 = tpu.memref_slice %arg4[%multiple_of3A_611] : memref<320000xi32, #tpu.memory_space<hbm>> -> memref<80xi32, #tpu.memory_space<hbm>>
        %dma_start3A_648 = arith.constant 0 : i32
        %dma_start3A_649 = tpu.memref_slice %arg7[%dma_start3A_642, %dma_start3A_643, %dma_start3A_648] : memref<2x2x80xi32, #tpu.memory_space<vmem>> -> memref<1x1x80xi32, #tpu.memory_space<vmem>>
        %dma_start3A_650 = tpu.memref_squeeze %dma_start3A_649 : memref<1x1x80xi32, #tpu.memory_space<vmem>> -> memref<80xi32, #tpu.memory_space<vmem>>
        %dma_start3A_651 = tpu.memref_slice %arg4[%multiple_of3A_611] : memref<320000xi32, #tpu.memory_space<hbm>> -> memref<80xi32, #tpu.memory_space<hbm>>
        tpu.enqueue_dma source(%dma_start3A_651 : memref<80xi32, #tpu.memory_space<hbm>>) target(%dma_start3A_650 : memref<80xi32, #tpu.memory_space<vmem>>) target_semaphore(%arg14 : memref<!tpu.dma_semaphore, #tpu.memory_space<semaphore_mem>>)
      } else {
      }
      %dma_wait3A_531 = arith.constant 1 : i32
      %dma_wait3A_532 = arith.constant 0 : i32
      %dma_wait3A_533 = arith.constant 1 : i32
      %dma_wait3A_534 = arith.constant 0 : i32
      %dma_wait3A_535 = arith.constant 0 : i32
      %dma_wait3A_536 = arith.constant 0 : i32
      %dma_wait3A_537 = tpu.memref_slice %arg8[%dma_wait3A_533, %dma_wait3A_534, %dma_wait3A_535, %dma_wait3A_536] : memref<2x2x80x128xf32, #tpu.memory_space<vmem>> -> memref<1x1x80x128xf32, #tpu.memory_space<vmem>>
      %dma_wait3A_538 = tpu.memref_squeeze %dma_wait3A_537 : memref<1x1x80x128xf32, #tpu.memory_space<vmem>> -> memref<80x128xf32, #tpu.memory_space<vmem>>
      %dma_wait3A_539 = arith.constant 0 : i32
      %dma_wait3A_540 = tpu.memref_slice %arg6[%dma_wait3A_531, %dma_wait3A_532, %dma_wait3A_539] : memref<2x2x80xi32, #tpu.memory_space<vmem>> -> memref<1x1x80xi32, #tpu.memory_space<vmem>>
      %dma_wait3A_541 = tpu.memref_squeeze %dma_wait3A_540 : memref<1x1x80xi32, #tpu.memory_space<vmem>> -> memref<80xi32, #tpu.memory_space<vmem>>
      %dma_wait3A_542 = arith.constant 0 : i32
      %dma_wait3A_543 = arith.constant 0 : i32
      %dma_wait3A_544 = tpu.memref_slice %arg2[%dma_wait3A_542, %dma_wait3A_543] : memref<10000x128xf32, #tpu.memory_space<hbm>> -> memref<10000x128xf32, #tpu.memory_space<hbm>>
      tpu.wait_indirect_dma semaphore(%arg12 : memref<!tpu.dma_semaphore, #tpu.memory_space<semaphore_mem>>) src(%dma_wait3A_544 : memref<10000x128xf32, #tpu.memory_space<hbm>>) dst(%dma_wait3A_538 : memref<80x128xf32, #tpu.memory_space<vmem>>)
      %dma_wait3A_545 = arith.constant 1 : i32
      %dma_wait3A_546 = arith.constant 1 : i32
      %dma_wait3A_547 = arith.constant 1 : i32
      %dma_wait3A_548 = arith.constant 1 : i32
      %dma_wait3A_549 = arith.constant 0 : i32
      %dma_wait3A_550 = arith.constant 0 : i32
      %dma_wait3A_551 = tpu.memref_slice %arg8[%dma_wait3A_547, %dma_wait3A_548, %dma_wait3A_549, %dma_wait3A_550] : memref<2x2x80x128xf32, #tpu.memory_space<vmem>> -> memref<1x1x80x128xf32, #tpu.memory_space<vmem>>
      %dma_wait3A_552 = tpu.memref_squeeze %dma_wait3A_551 : memref<1x1x80x128xf32, #tpu.memory_space<vmem>> -> memref<80x128xf32, #tpu.memory_space<vmem>>
      %dma_wait3A_553 = arith.constant 0 : i32
      %dma_wait3A_554 = tpu.memref_slice %arg6[%dma_wait3A_545, %dma_wait3A_546, %dma_wait3A_553] : memref<2x2x80xi32, #tpu.memory_space<vmem>> -> memref<1x1x80xi32, #tpu.memory_space<vmem>>
      %dma_wait3A_555 = tpu.memref_squeeze %dma_wait3A_554 : memref<1x1x80xi32, #tpu.memory_space<vmem>> -> memref<80xi32, #tpu.memory_space<vmem>>
      %dma_wait3A_556 = arith.constant 0 : i32
      %dma_wait3A_557 = arith.constant 0 : i32
      %dma_wait3A_558 = tpu.memref_slice %arg2[%dma_wait3A_556, %dma_wait3A_557] : memref<10000x128xf32, #tpu.memory_space<hbm>> -> memref<10000x128xf32, #tpu.memory_space<hbm>>
      tpu.wait_indirect_dma semaphore(%arg12 : memref<!tpu.dma_semaphore, #tpu.memory_space<semaphore_mem>>) src(%dma_wait3A_558 : memref<10000x128xf32, #tpu.memory_space<hbm>>) dst(%dma_wait3A_552 : memref<80x128xf32, #tpu.memory_space<vmem>>)
      %dma_start3A_559 = arith.constant 1 : i32
      %dma_start3A_560 = arith.constant 0 : i32
      %dma_start3A_561 = arith.constant 1 : i32
      %dma_start3A_562 = arith.constant 0 : i32
      %dma_start3A_563 = arith.constant 0 : i32
      %dma_start3A_564 = arith.constant 0 : i32
      %dma_start3A_565 = tpu.memref_slice %arg8[%dma_start3A_559, %dma_start3A_560, %dma_start3A_563, %dma_start3A_564] : memref<2x2x80x128xf32, #tpu.memory_space<vmem>> -> memref<1x1x80x128xf32, #tpu.memory_space<vmem>>
      %dma_start3A_566 = tpu.memref_squeeze %dma_start3A_565 : memref<1x1x80x128xf32, #tpu.memory_space<vmem>> -> memref<80x128xf32, #tpu.memory_space<vmem>>
      %dma_start3A_567 = arith.constant 0 : i32
      %dma_start3A_568 = tpu.memref_slice %arg7[%dma_start3A_561, %dma_start3A_562, %dma_start3A_567] : memref<2x2x80xi32, #tpu.memory_space<vmem>> -> memref<1x1x80xi32, #tpu.memory_space<vmem>>
      %dma_start3A_569 = tpu.memref_squeeze %dma_start3A_568 : memref<1x1x80xi32, #tpu.memory_space<vmem>> -> memref<80xi32, #tpu.memory_space<vmem>>
      %dma_start3A_570 = arith.constant 0 : i32
      %dma_start3A_571 = arith.constant 0 : i32
      %dma_start3A_572 = tpu.memref_slice %arg11[%dma_start3A_570, %dma_start3A_571] : memref<10112x128xf32, #tpu.memory_space<vmem_shared>> -> memref<10112x128xf32, #tpu.memory_space<vmem_shared>>
      tpu.enqueue_indirect_dma source(%dma_start3A_566 : memref<80x128xf32, #tpu.memory_space<vmem>>) target(%dma_start3A_572 : memref<10112x128xf32, #tpu.memory_space<vmem_shared>>) offsets(%dma_start3A_569 : memref<80xi32, #tpu.memory_space<vmem>>) semaphore(%arg13 : memref<!tpu.dma_semaphore, #tpu.memory_space<semaphore_mem>>) {add = true}
      %dma_start3A_573 = arith.constant 1 : i32
      %dma_start3A_574 = arith.constant 1 : i32
      %dma_start3A_575 = arith.constant 1 : i32
      %dma_start3A_576 = arith.constant 1 : i32
      %dma_start3A_577 = arith.constant 0 : i32
      %dma_start3A_578 = arith.constant 0 : i32
      %dma_start3A_579 = tpu.memref_slice %arg8[%dma_start3A_573, %dma_start3A_574, %dma_start3A_577, %dma_start3A_578] : memref<2x2x80x128xf32, #tpu.memory_space<vmem>> -> memref<1x1x80x128xf32, #tpu.memory_space<vmem>>
      %dma_start3A_580 = tpu.memref_squeeze %dma_start3A_579 : memref<1x1x80x128xf32, #tpu.memory_space<vmem>> -> memref<80x128xf32, #tpu.memory_space<vmem>>
      %dma_start3A_581 = arith.constant 0 : i32
      %dma_start3A_582 = tpu.memref_slice %arg7[%dma_start3A_575, %dma_start3A_576, %dma_start3A_581] : memref<2x2x80xi32, #tpu.memory_space<vmem>> -> memref<1x1x80xi32, #tpu.memory_space<vmem>>
      %dma_start3A_583 = tpu.memref_squeeze %dma_start3A_582 : memref<1x1x80xi32, #tpu.memory_space<vmem>> -> memref<80xi32, #tpu.memory_space<vmem>>
      %dma_start3A_584 = arith.constant 0 : i32
      %dma_start3A_585 = arith.constant 0 : i32
      %dma_start3A_586 = tpu.memref_slice %arg11[%dma_start3A_584, %dma_start3A_585] : memref<10112x128xf32, #tpu.memory_space<vmem_shared>> -> memref<10112x128xf32, #tpu.memory_space<vmem_shared>>
      tpu.enqueue_indirect_dma source(%dma_start3A_580 : memref<80x128xf32, #tpu.memory_space<vmem>>) target(%dma_start3A_586 : memref<10112x128xf32, #tpu.memory_space<vmem_shared>>) offsets(%dma_start3A_583 : memref<80xi32, #tpu.memory_space<vmem>>) semaphore(%arg13 : memref<!tpu.dma_semaphore, #tpu.memory_space<semaphore_mem>>) {add = true}
      %add3A_587 = arith.constant 1 : i32
      %add3A_588 = arith.addi %add3A_518, %add3A_587 : i32
      %lt3A_589 = arith.constant 62 : i32
      %lt3A_590 = arith.cmpi slt, %add3A_588, %lt3A_589 : i32
      %convert_element_type3A_591 = arith.extui %lt3A_590 : i1 to i32
      %cond3A_592 = arith.constant 0 : i32
      %cond3A_593 = arith.cmpi ne, %convert_element_type3A_591, %cond3A_592 : i32
      scf.if %cond3A_593 {
        %add3A_594 = arith.constant 1 : i32
        %add3A_595 = arith.addi %add3A_518, %add3A_594 : i32
        %mul3A_596 = arith.constant 2 : i32
        %mul3A_597 = arith.muli %add3A_595, %mul3A_596 : i32
        %add3A_598 = arith.constant 0 : i32
        %add3A_599 = arith.addi %mul3A_597, %add3A_598 : i32
        %mul3A_600 = arith.constant 80 : i32
        %mul3A_601 = arith.muli %add3A_599, %mul3A_600 : i32
        %add3A_602 = arith.addi %mul3A_39, %mul3A_601 : i32
        %multiple_of3A_603 = tpu.assume_multiple %add3A_602, 8 : i32
        %mul3A_604 = arith.constant 2 : i32
        %mul3A_605 = arith.muli %add3A_595, %mul3A_604 : i32
        %add3A_606 = arith.constant 1 : i32
        %add3A_607 = arith.addi %mul3A_605, %add3A_606 : i32
        %mul3A_608 = arith.constant 80 : i32
        %mul3A_609 = arith.muli %add3A_607, %mul3A_608 : i32
        %add3A_610 = arith.addi %mul3A_39, %mul3A_609 : i32
        %multiple_of3A_611 = tpu.assume_multiple %add3A_610, 8 : i32
        %dma_wait3A_612 = arith.constant 0 : i32
        %dma_wait3A_613 = arith.constant 0 : i32
        %dma_wait3A_614 = arith.constant 0 : i32
        %dma_wait3A_615 = tpu.memref_slice %arg6[%dma_wait3A_612, %dma_wait3A_613, %dma_wait3A_614] : memref<2x2x80xi32, #tpu.memory_space<vmem>> -> memref<1x1x80xi32, #tpu.memory_space<vmem>>
        %dma_wait3A_616 = tpu.memref_squeeze %dma_wait3A_615 : memref<1x1x80xi32, #tpu.memory_space<vmem>> -> memref<80xi32, #tpu.memory_space<vmem>>
        %dma_wait3A_617 = tpu.memref_slice %arg3[%multiple_of3A_603] : memref<320000xi32, #tpu.memory_space<hbm>> -> memref<80xi32, #tpu.memory_space<hbm>>
        %dma_wait3A_618 = arith.constant 0 : i32
        %dma_wait3A_619 = tpu.memref_slice %arg6[%dma_wait3A_612, %dma_wait3A_613, %dma_wait3A_618] : memref<2x2x80xi32, #tpu.memory_space<vmem>> -> memref<1x1x80xi32, #tpu.memory_space<vmem>>
        %dma_wait3A_620 = tpu.memref_squeeze %dma_wait3A_619 : memref<1x1x80xi32, #tpu.memory_space<vmem>> -> memref<80xi32, #tpu.memory_space<vmem>>
        %dma_wait3A_621 = tpu.memref_slice %arg3[%multiple_of3A_603] : memref<320000xi32, #tpu.memory_space<hbm>> -> memref<80xi32, #tpu.memory_space<hbm>>
        tpu.wait_dma2 semaphore(%arg14 : memref<!tpu.dma_semaphore, #tpu.memory_space<semaphore_mem>>) src(%dma_wait3A_621 : memref<80xi32, #tpu.memory_space<hbm>>) dst(%dma_wait3A_620 : memref<80xi32, #tpu.memory_space<vmem>>)
        %dma_wait3A_622 = arith.constant 0 : i32
        %dma_wait3A_623 = arith.constant 0 : i32
        %dma_wait3A_624 = arith.constant 0 : i32
        %dma_wait3A_625 = tpu.memref_slice %arg7[%dma_wait3A_622, %dma_wait3A_623, %dma_wait3A_624] : memref<2x2x80xi32, #tpu.memory_space<vmem>> -> memref<1x1x80xi32, #tpu.memory_space<vmem>>
        %dma_wait3A_626 = tpu.memref_squeeze %dma_wait3A_625 : memref<1x1x80xi32, #tpu.memory_space<vmem>> -> memref<80xi32, #tpu.memory_space<vmem>>
        %dma_wait3A_627 = tpu.memref_slice %arg4[%multiple_of3A_603] : memref<320000xi32, #tpu.memory_space<hbm>> -> memref<80xi32, #tpu.memory_space<hbm>>
        %dma_wait3A_628 = arith.constant 0 : i32
        %dma_wait3A_629 = tpu.memref_slice %arg7[%dma_wait3A_622, %dma_wait3A_623, %dma_wait3A_628] : memref<2x2x80xi32, #tpu.memory_space<vmem>> -> memref<1x1x80xi32, #tpu.memory_space<vmem>>
        %dma_wait3A_630 = tpu.memref_squeeze %dma_wait3A_629 : memref<1x1x80xi32, #tpu.memory_space<vmem>> -> memref<80xi32, #tpu.memory_space<vmem>>
        %dma_wait3A_631 = tpu.memref_slice %arg4[%multiple_of3A_603] : memref<320000xi32, #tpu.memory_space<hbm>> -> memref<80xi32, #tpu.memory_space<hbm>>
        tpu.wait_dma2 semaphore(%arg14 : memref<!tpu.dma_semaphore, #tpu.memory_space<semaphore_mem>>) src(%dma_wait3A_631 : memref<80xi32, #tpu.memory_space<hbm>>) dst(%dma_wait3A_630 : memref<80xi32, #tpu.memory_space<vmem>>)
        %dma_wait3A_632 = arith.constant 0 : i32
        %dma_wait3A_633 = arith.constant 1 : i32
        %dma_wait3A_634 = arith.constant 0 : i32
        %dma_wait3A_635 = tpu.memref_slice %arg6[%dma_wait3A_632, %dma_wait3A_633, %dma_wait3A_634] : memref<2x2x80xi32, #tpu.memory_space<vmem>> -> memref<1x1x80xi32, #tpu.memory_space<vmem>>
        %dma_wait3A_636 = tpu.memref_squeeze %dma_wait3A_635 : memref<1x1x80xi32, #tpu.memory_space<vmem>> -> memref<80xi32, #tpu.memory_space<vmem>>
        %dma_wait3A_637 = tpu.memref_slice %arg3[%multiple_of3A_611] : memref<320000xi32, #tpu.memory_space<hbm>> -> memref<80xi32, #tpu.memory_space<hbm>>
        %dma_wait3A_638 = arith.constant 0 : i32
        %dma_wait3A_639 = tpu.memref_slice %arg6[%dma_wait3A_632, %dma_wait3A_633, %dma_wait3A_638] : memref<2x2x80xi32, #tpu.memory_space<vmem>> -> memref<1x1x80xi32, #tpu.memory_space<vmem>>
        %dma_wait3A_640 = tpu.memref_squeeze %dma_wait3A_639 : memref<1x1x80xi32, #tpu.memory_space<vmem>> -> memref<80xi32, #tpu.memory_space<vmem>>
        %dma_wait3A_641 = tpu.memref_slice %arg3[%multiple_of3A_611] : memref<320000xi32, #tpu.memory_space<hbm>> -> memref<80xi32, #tpu.memory_space<hbm>>
        tpu.wait_dma2 semaphore(%arg14 : memref<!tpu.dma_semaphore, #tpu.memory_space<semaphore_mem>>) src(%dma_wait3A_641 : memref<80xi32, #tpu.memory_space<hbm>>) dst(%dma_wait3A_640 : memref<80xi32, #tpu.memory_space<vmem>>)
        %dma_wait3A_642 = arith.constant 0 : i32
        %dma_wait3A_643 = arith.constant 1 : i32
        %dma_wait3A_644 = arith.constant 0 : i32
        %dma_wait3A_645 = tpu.memref_slice %arg7[%dma_wait3A_642, %dma_wait3A_643, %dma_wait3A_644] : memref<2x2x80xi32, #tpu.memory_space<vmem>> -> memref<1x1x80xi32, #tpu.memory_space<vmem>>
        %dma_wait3A_646 = tpu.memref_squeeze %dma_wait3A_645 : memref<1x1x80xi32, #tpu.memory_space<vmem>> -> memref<80xi32, #tpu.memory_space<vmem>>
        %dma_wait3A_647 = tpu.memref_slice %arg4[%multiple_of3A_611] : memref<320000xi32, #tpu.memory_space<hbm>> -> memref<80xi32, #tpu.memory_space<hbm>>
        %dma_wait3A_648 = arith.constant 0 : i32
        %dma_wait3A_649 = tpu.memref_slice %arg7[%dma_wait3A_642, %dma_wait3A_643, %dma_wait3A_648] : memref<2x2x80xi32, #tpu.memory_space<vmem>> -> memref<1x1x80xi32, #tpu.memory_space<vmem>>
        %dma_wait3A_650 = tpu.memref_squeeze %dma_wait3A_649 : memref<1x1x80xi32, #tpu.memory_space<vmem>> -> memref<80xi32, #tpu.memory_space<vmem>>
        %dma_wait3A_651 = tpu.memref_slice %arg4[%multiple_of3A_611] : memref<320000xi32, #tpu.memory_space<hbm>> -> memref<80xi32, #tpu.memory_space<hbm>>
        tpu.wait_dma2 semaphore(%arg14 : memref<!tpu.dma_semaphore, #tpu.memory_space<semaphore_mem>>) src(%dma_wait3A_651 : memref<80xi32, #tpu.memory_space<hbm>>) dst(%dma_wait3A_650 : memref<80xi32, #tpu.memory_space<vmem>>)
        %dma_start3A_652 = arith.constant 0 : i32
        %dma_start3A_653 = arith.constant 0 : i32
        %dma_start3A_654 = arith.constant 0 : i32
        %dma_start3A_655 = arith.constant 0 : i32
        %dma_start3A_656 = arith.constant 0 : i32
        %dma_start3A_657 = arith.constant 0 : i32
        %dma_start3A_658 = tpu.memref_slice %arg8[%dma_start3A_654, %dma_start3A_655, %dma_start3A_656, %dma_start3A_657] : memref<2x2x80x128xf32, #tpu.memory_space<vmem>> -> memref<1x1x80x128xf32, #tpu.memory_space<vmem>>
        %dma_start3A_659 = tpu.memref_squeeze %dma_start3A_658 : memref<1x1x80x128xf32, #tpu.memory_space<vmem>> -> memref<80x128xf32, #tpu.memory_space<vmem>>
        %dma_start3A_660 = arith.constant 0 : i32
        %dma_start3A_661 = tpu.memref_slice %arg6[%dma_start3A_652, %dma_start3A_653, %dma_start3A_660] : memref<2x2x80xi32, #tpu.memory_space<vmem>> -> memref<1x1x80xi32, #tpu.memory_space<vmem>>
        %dma_start3A_662 = tpu.memref_squeeze %dma_start3A_661 : memref<1x1x80xi32, #tpu.memory_space<vmem>> -> memref<80xi32, #tpu.memory_space<vmem>>
        %dma_start3A_663 = arith.constant 0 : i32
        %dma_start3A_664 = arith.constant 0 : i32
        %dma_start3A_665 = tpu.memref_slice %arg2[%dma_start3A_663, %dma_start3A_664] : memref<10000x128xf32, #tpu.memory_space<hbm>> -> memref<10000x128xf32, #tpu.memory_space<hbm>>
        tpu.enqueue_indirect_dma source(%dma_start3A_665 : memref<10000x128xf32, #tpu.memory_space<hbm>>) target(%dma_start3A_659 : memref<80x128xf32, #tpu.memory_space<vmem>>) offsets(%dma_start3A_662 : memref<80xi32, #tpu.memory_space<vmem>>) semaphore(%arg12 : memref<!tpu.dma_semaphore, #tpu.memory_space<semaphore_mem>>)
        %dma_start3A_666 = arith.constant 0 : i32
        %dma_start3A_667 = arith.constant 1 : i32
        %dma_start3A_668 = arith.constant 0 : i32
        %dma_start3A_669 = arith.constant 1 : i32
        %dma_start3A_670 = arith.constant 0 : i32
        %dma_start3A_671 = arith.constant 0 : i32
        %dma_start3A_672 = tpu.memref_slice %arg8[%dma_start3A_668, %dma_start3A_669, %dma_start3A_670, %dma_start3A_671] : memref<2x2x80x128xf32, #tpu.memory_space<vmem>> -> memref<1x1x80x128xf32, #tpu.memory_space<vmem>>
        %dma_start3A_673 = tpu.memref_squeeze %dma_start3A_672 : memref<1x1x80x128xf32, #tpu.memory_space<vmem>> -> memref<80x128xf32, #tpu.memory_space<vmem>>
        %dma_start3A_674 = arith.constant 0 : i32
        %dma_start3A_675 = tpu.memref_slice %arg6[%dma_start3A_666, %dma_start3A_667, %dma_start3A_674] : memref<2x2x80xi32, #tpu.memory_space<vmem>> -> memref<1x1x80xi32, #tpu.memory_space<vmem>>
        %dma_start3A_676 = tpu.memref_squeeze %dma_start3A_675 : memref<1x1x80xi32, #tpu.memory_space<vmem>> -> memref<80xi32, #tpu.memory_space<vmem>>
        %dma_start3A_677 = arith.constant 0 : i32
        %dma_start3A_678 = arith.constant 0 : i32
        %dma_start3A_679 = tpu.memref_slice %arg2[%dma_start3A_677, %dma_start3A_678] : memref<10000x128xf32, #tpu.memory_space<hbm>> -> memref<10000x128xf32, #tpu.memory_space<hbm>>
        tpu.enqueue_indirect_dma source(%dma_start3A_679 : memref<10000x128xf32, #tpu.memory_space<hbm>>) target(%dma_start3A_673 : memref<80x128xf32, #tpu.memory_space<vmem>>) offsets(%dma_start3A_676 : memref<80xi32, #tpu.memory_space<vmem>>) semaphore(%arg12 : memref<!tpu.dma_semaphore, #tpu.memory_space<semaphore_mem>>)
      } else {
      }
    }
    %scan3A_386 = arith.constant 31 : i32
    %dma_wait3A_387 = arith.constant 1 : i32
    %dma_wait3A_388 = arith.constant 0 : i32
    %dma_wait3A_389 = arith.constant 1 : i32
    %dma_wait3A_390 = arith.constant 0 : i32
    %dma_wait3A_391 = arith.constant 0 : i32
    %dma_wait3A_392 = arith.constant 0 : i32
    %dma_wait3A_393 = tpu.memref_slice %arg8[%dma_wait3A_387, %dma_wait3A_388, %dma_wait3A_391, %dma_wait3A_392] : memref<2x2x80x128xf32, #tpu.memory_space<vmem>> -> memref<1x1x80x128xf32, #tpu.memory_space<vmem>>
    %dma_wait3A_394 = tpu.memref_squeeze %dma_wait3A_393 : memref<1x1x80x128xf32, #tpu.memory_space<vmem>> -> memref<80x128xf32, #tpu.memory_space<vmem>>
    %dma_wait3A_395 = arith.constant 0 : i32
    %dma_wait3A_396 = tpu.memref_slice %arg7[%dma_wait3A_389, %dma_wait3A_390, %dma_wait3A_395] : memref<2x2x80xi32, #tpu.memory_space<vmem>> -> memref<1x1x80xi32, #tpu.memory_space<vmem>>
    %dma_wait3A_397 = tpu.memref_squeeze %dma_wait3A_396 : memref<1x1x80xi32, #tpu.memory_space<vmem>> -> memref<80xi32, #tpu.memory_space<vmem>>
    %dma_wait3A_398 = arith.constant 0 : i32
    %dma_wait3A_399 = arith.constant 0 : i32
    %dma_wait3A_400 = tpu.memref_slice %arg11[%dma_wait3A_398, %dma_wait3A_399] : memref<10112x128xf32, #tpu.memory_space<vmem_shared>> -> memref<10112x128xf32, #tpu.memory_space<vmem_shared>>
    tpu.wait_indirect_dma semaphore(%arg13 : memref<!tpu.dma_semaphore, #tpu.memory_space<semaphore_mem>>) src(%dma_wait3A_394 : memref<80x128xf32, #tpu.memory_space<vmem>>) dst(%dma_wait3A_400 : memref<10112x128xf32, #tpu.memory_space<vmem_shared>>)
    %dma_wait3A_401 = arith.constant 1 : i32
    %dma_wait3A_402 = arith.constant 1 : i32
    %dma_wait3A_403 = arith.constant 1 : i32
    %dma_wait3A_404 = arith.constant 1 : i32
    %dma_wait3A_405 = arith.constant 0 : i32
    %dma_wait3A_406 = arith.constant 0 : i32
    %dma_wait3A_407 = tpu.memref_slice %arg8[%dma_wait3A_401, %dma_wait3A_402, %dma_wait3A_405, %dma_wait3A_406] : memref<2x2x80x128xf32, #tpu.memory_space<vmem>> -> memref<1x1x80x128xf32, #tpu.memory_space<vmem>>
    %dma_wait3A_408 = tpu.memref_squeeze %dma_wait3A_407 : memref<1x1x80x128xf32, #tpu.memory_space<vmem>> -> memref<80x128xf32, #tpu.memory_space<vmem>>
    %dma_wait3A_409 = arith.constant 0 : i32
    %dma_wait3A_410 = tpu.memref_slice %arg7[%dma_wait3A_403, %dma_wait3A_404, %dma_wait3A_409] : memref<2x2x80xi32, #tpu.memory_space<vmem>> -> memref<1x1x80xi32, #tpu.memory_space<vmem>>
    %dma_wait3A_411 = tpu.memref_squeeze %dma_wait3A_410 : memref<1x1x80xi32, #tpu.memory_space<vmem>> -> memref<80xi32, #tpu.memory_space<vmem>>
    %dma_wait3A_412 = arith.constant 0 : i32
    %dma_wait3A_413 = arith.constant 0 : i32
    %dma_wait3A_414 = tpu.memref_slice %arg11[%dma_wait3A_412, %dma_wait3A_413] : memref<10112x128xf32, #tpu.memory_space<vmem_shared>> -> memref<10112x128xf32, #tpu.memory_space<vmem_shared>>
    tpu.wait_indirect_dma semaphore(%arg13 : memref<!tpu.dma_semaphore, #tpu.memory_space<semaphore_mem>>) src(%dma_wait3A_408 : memref<80x128xf32, #tpu.memory_space<vmem>>) dst(%dma_wait3A_414 : memref<10112x128xf32, #tpu.memory_space<vmem_shared>>)
    %add3A_415 = arith.constant 9920 : i32
    %add3A_416 = arith.addi %mul3A_39, %add3A_415 : i32
    %multiple_of3A_417 = tpu.assume_multiple %add3A_416, 8 : i32
    "tpu.region"() ({
      %run_scoped3A_441 = tpu.sem_alloc : memref<!tpu.dma_semaphore, #tpu.memory_space<semaphore_mem>>
      %dma_start3A_442 = tpu.memref_slice %arg3[%multiple_of3A_417] : memref<320000xi32, #tpu.memory_space<hbm>> -> memref<80xi32, #tpu.memory_space<hbm>>
      %dma_start3A_443 = tpu.memref_slice %arg3[%multiple_of3A_417] : memref<320000xi32, #tpu.memory_space<hbm>> -> memref<80xi32, #tpu.memory_space<hbm>>
      tpu.enqueue_dma source(%dma_start3A_443 : memref<80xi32, #tpu.memory_space<hbm>>) target(%arg9 : memref<80xi32, #tpu.memory_space<vmem>>) target_semaphore(%run_scoped3A_441 : memref<!tpu.dma_semaphore, #tpu.memory_space<semaphore_mem>>)
      %dma_wait3A_444 = tpu.memref_slice %arg3[%multiple_of3A_417] : memref<320000xi32, #tpu.memory_space<hbm>> -> memref<80xi32, #tpu.memory_space<hbm>>
      %dma_wait3A_445 = tpu.memref_slice %arg3[%multiple_of3A_417] : memref<320000xi32, #tpu.memory_space<hbm>> -> memref<80xi32, #tpu.memory_space<hbm>>
      tpu.wait_dma2 semaphore(%run_scoped3A_441 : memref<!tpu.dma_semaphore, #tpu.memory_space<semaphore_mem>>) src(%dma_wait3A_445 : memref<80xi32, #tpu.memory_space<hbm>>) dst(%arg9 : memref<80xi32, #tpu.memory_space<vmem>>)
      tpu.yield
    }) : () -> ()
    "tpu.region"() ({
      %run_scoped3A_441 = tpu.sem_alloc : memref<!tpu.dma_semaphore, #tpu.memory_space<semaphore_mem>>
      %dma_start3A_442 = tpu.memref_slice %arg4[%multiple_of3A_417] : memref<320000xi32, #tpu.memory_space<hbm>> -> memref<80xi32, #tpu.memory_space<hbm>>
      %dma_start3A_443 = tpu.memref_slice %arg4[%multiple_of3A_417] : memref<320000xi32, #tpu.memory_space<hbm>> -> memref<80xi32, #tpu.memory_space<hbm>>
      tpu.enqueue_dma source(%dma_start3A_443 : memref<80xi32, #tpu.memory_space<hbm>>) target(%arg10 : memref<80xi32, #tpu.memory_space<vmem>>) target_semaphore(%run_scoped3A_441 : memref<!tpu.dma_semaphore, #tpu.memory_space<semaphore_mem>>)
      %dma_wait3A_444 = tpu.memref_slice %arg4[%multiple_of3A_417] : memref<320000xi32, #tpu.memory_space<hbm>> -> memref<80xi32, #tpu.memory_space<hbm>>
      %dma_wait3A_445 = tpu.memref_slice %arg4[%multiple_of3A_417] : memref<320000xi32, #tpu.memory_space<hbm>> -> memref<80xi32, #tpu.memory_space<hbm>>
      tpu.wait_dma2 semaphore(%run_scoped3A_441 : memref<!tpu.dma_semaphore, #tpu.memory_space<semaphore_mem>>) src(%dma_wait3A_445 : memref<80xi32, #tpu.memory_space<hbm>>) dst(%arg10 : memref<80xi32, #tpu.memory_space<vmem>>)
      tpu.yield
    }) : () -> ()
    %dma_start3A_418 = arith.constant 0 : i32
    %dma_start3A_419 = arith.constant 0 : i32
    %dma_start3A_420 = arith.constant 0 : i32
    %dma_start3A_421 = arith.constant 0 : i32
    %dma_start3A_422 = tpu.memref_slice %arg8[%dma_start3A_418, %dma_start3A_419, %dma_start3A_420, %dma_start3A_421] : memref<2x2x80x128xf32, #tpu.memory_space<vmem>> -> memref<1x1x80x128xf32, #tpu.memory_space<vmem>>
    %dma_start3A_423 = tpu.memref_squeeze %dma_start3A_422 : memref<1x1x80x128xf32, #tpu.memory_space<vmem>> -> memref<80x128xf32, #tpu.memory_space<vmem>>
    %dma_start3A_424 = arith.constant 0 : i32
    %dma_start3A_425 = arith.constant 0 : i32
    %dma_start3A_426 = tpu.memref_slice %arg2[%dma_start3A_424, %dma_start3A_425] : memref<10000x128xf32, #tpu.memory_space<hbm>> -> memref<10000x128xf32, #tpu.memory_space<hbm>>
    tpu.enqueue_indirect_dma source(%dma_start3A_426 : memref<10000x128xf32, #tpu.memory_space<hbm>>) target(%dma_start3A_423 : memref<80x128xf32, #tpu.memory_space<vmem>>) offsets(%arg9 : memref<80xi32, #tpu.memory_space<vmem>>) semaphore(%arg12 : memref<!tpu.dma_semaphore, #tpu.memory_space<semaphore_mem>>)
    %dma_wait3A_427 = arith.constant 0 : i32
    %dma_wait3A_428 = arith.constant 0 : i32
    %dma_wait3A_429 = arith.constant 0 : i32
    %dma_wait3A_430 = arith.constant 0 : i32
    %dma_wait3A_431 = tpu.memref_slice %arg8[%dma_wait3A_427, %dma_wait3A_428, %dma_wait3A_429, %dma_wait3A_430] : memref<2x2x80x128xf32, #tpu.memory_space<vmem>> -> memref<1x1x80x128xf32, #tpu.memory_space<vmem>>
    %dma_wait3A_432 = tpu.memref_squeeze %dma_wait3A_431 : memref<1x1x80x128xf32, #tpu.memory_space<vmem>> -> memref<80x128xf32, #tpu.memory_space<vmem>>
    %dma_wait3A_433 = arith.constant 0 : i32
    %dma_wait3A_434 = arith.constant 0 : i32
    %dma_wait3A_435 = tpu.memref_slice %arg2[%dma_wait3A_433, %dma_wait3A_434] : memref<10000x128xf32, #tpu.memory_space<hbm>> -> memref<10000x128xf32, #tpu.memory_space<hbm>>
    tpu.wait_indirect_dma semaphore(%arg12 : memref<!tpu.dma_semaphore, #tpu.memory_space<semaphore_mem>>) src(%dma_wait3A_435 : memref<10000x128xf32, #tpu.memory_space<hbm>>) dst(%dma_wait3A_432 : memref<80x128xf32, #tpu.memory_space<vmem>>)
    %run_scoped3A = arith.constant 0 : i32
    %run_scoped3A_436 = arith.constant 0 : i32
    "tpu.region"() ({
      %run_scoped3A_441 = tpu.sem_alloc : memref<!tpu.dma_semaphore, #tpu.memory_space<semaphore_mem>>
      %dma_start3A_442 = arith.constant 0 : i32
      %dma_start3A_443 = arith.constant 0 : i32
      %dma_start3A_444 = tpu.memref_slice %arg8[%run_scoped3A, %run_scoped3A_436, %dma_start3A_442, %dma_start3A_443] : memref<2x2x80x128xf32, #tpu.memory_space<vmem>> -> memref<1x1x80x128xf32, #tpu.memory_space<vmem>>
      %dma_start3A_445 = tpu.memref_squeeze %dma_start3A_444 : memref<1x1x80x128xf32, #tpu.memory_space<vmem>> -> memref<80x128xf32, #tpu.memory_space<vmem>>
      %dma_start3A_446 = arith.constant 0 : i32
      %dma_start3A_447 = arith.constant 0 : i32
      %dma_start3A_448 = tpu.memref_slice %arg11[%dma_start3A_446, %dma_start3A_447] : memref<10112x128xf32, #tpu.memory_space<vmem_shared>> -> memref<10112x128xf32, #tpu.memory_space<vmem_shared>>
      tpu.enqueue_indirect_dma source(%dma_start3A_445 : memref<80x128xf32, #tpu.memory_space<vmem>>) target(%dma_start3A_448 : memref<10112x128xf32, #tpu.memory_space<vmem_shared>>) offsets(%arg10 : memref<80xi32, #tpu.memory_space<vmem>>) semaphore(%run_scoped3A_441 : memref<!tpu.dma_semaphore, #tpu.memory_space<semaphore_mem>>) {add = true}
      %dma_wait3A_449 = arith.constant 0 : i32
      %dma_wait3A_450 = arith.constant 0 : i32
      %dma_wait3A_451 = tpu.memref_slice %arg8[%run_scoped3A, %run_scoped3A_436, %dma_wait3A_449, %dma_wait3A_450] : memref<2x2x80x128xf32, #tpu.memory_space<vmem>> -> memref<1x1x80x128xf32, #tpu.memory_space<vmem>>
      %dma_wait3A_452 = tpu.memref_squeeze %dma_wait3A_451 : memref<1x1x80x128xf32, #tpu.memory_space<vmem>> -> memref<80x128xf32, #tpu.memory_space<vmem>>
      %dma_wait3A_453 = arith.constant 0 : i32
      %dma_wait3A_454 = arith.constant 0 : i32
      %dma_wait3A_455 = tpu.memref_slice %arg11[%dma_wait3A_453, %dma_wait3A_454] : memref<10112x128xf32, #tpu.memory_space<vmem_shared>> -> memref<10112x128xf32, #tpu.memory_space<vmem_shared>>
      tpu.wait_indirect_dma semaphore(%run_scoped3A_441 : memref<!tpu.dma_semaphore, #tpu.memory_space<semaphore_mem>>) src(%dma_wait3A_452 : memref<80x128xf32, #tpu.memory_space<vmem>>) dst(%dma_wait3A_455 : memref<10112x128xf32, #tpu.memory_space<vmem_shared>>)
      tpu.yield
    }) : () -> ()
    %barrier3A_437 = arith.constant 0 : index
    tpu.barrier barrier_id(%barrier3A_437)
    %mul3A_438 = arith.constant 632 : i32
    %mul3A_439 = arith.muli %arg1, %mul3A_438 : i32
    %multiple_of3A_440 = tpu.assume_multiple %mul3A_439, 8 : i32
    "tpu.region"() ({
      %run_scoped3A_441 = tpu.sem_alloc : memref<!tpu.dma_semaphore, #tpu.memory_space<semaphore_mem>>
      %dma_start3A_442 = arith.constant 0 : i32
      %dma_start3A_443 = tpu.memref_slice %arg5[%arg0, %multiple_of3A_440, %dma_start3A_442] : memref<2x10112x128xf32, #tpu.memory_space<hbm>> -> memref<1x632x128xf32, #tpu.memory_space<hbm>>
      %dma_start3A_444 = tpu.memref_squeeze %dma_start3A_443 : memref<1x632x128xf32, #tpu.memory_space<hbm>> -> memref<632x128xf32, #tpu.memory_space<hbm>>
      %dma_start3A_445 = arith.constant 0 : i32
      %dma_start3A_446 = tpu.memref_slice %arg11[%multiple_of3A_440, %dma_start3A_445] : memref<10112x128xf32, #tpu.memory_space<vmem_shared>> -> memref<632x128xf32, #tpu.memory_space<vmem_shared>>
      tpu.enqueue_dma source(%dma_start3A_446 : memref<632x128xf32, #tpu.memory_space<vmem_shared>>) target(%dma_start3A_444 : memref<632x128xf32, #tpu.memory_space<hbm>>) target_semaphore(%run_scoped3A_441 : memref<!tpu.dma_semaphore, #tpu.memory_space<semaphore_mem>>)
      %dma_wait3A_447 = arith.constant 0 : i32
      %dma_wait3A_448 = tpu.memref_slice %arg5[%arg0, %multiple_of3A_440, %dma_wait3A_447] : memref<2x10112x128xf32, #tpu.memory_space<hbm>> -> memref<1x632x128xf32, #tpu.memory_space<hbm>>
      %dma_wait3A_449 = tpu.memref_squeeze %dma_wait3A_448 : memref<1x632x128xf32, #tpu.memory_space<hbm>> -> memref<632x128xf32, #tpu.memory_space<hbm>>
      %dma_wait3A_450 = arith.constant 0 : i32
      %dma_wait3A_451 = tpu.memref_slice %arg11[%multiple_of3A_440, %dma_wait3A_450] : memref<10112x128xf32, #tpu.memory_space<vmem_shared>> -> memref<632x128xf32, #tpu.memory_space<vmem_shared>>
      tpu.wait_dma2 semaphore(%run_scoped3A_441 : memref<!tpu.dma_semaphore, #tpu.memory_space<semaphore_mem>>) src(%dma_wait3A_451 : memref<632x128xf32, #tpu.memory_space<vmem_shared>>) dst(%dma_wait3A_449 : memref<632x128xf32, #tpu.memory_space<hbm>>)
      tpu.yield
    }) : () -> ()
    return
  }
}

module attributes {stable_mosaic.version = 14 : i64} {
  func.func @body(%arg0: i32, %arg1: memref<2x1000x128xf32, #tpu.memory_space<vmem>>, %arg2: memref<384x128xf32, #tpu.memory_space<vmem>>, %arg3: memref<1x384xf32, #tpu.memory_space<vmem>>, %arg4: memref<1000x128xf32, #tpu.memory_space<vmem>>, %arg5: memref<1000x128xf32, #tpu.memory_space<vmem>>) attributes {dimension_semantics = [#tpu.dimension_semantics<arbitrary>], iteration_bounds = array<i64: 10>, scalar_prefetch = 0 : i64, scratch_operands = 0 : i64, tpu.core_type = #tpu.core_type<tc>, window_params = [{transform_indices = @transform_0, window_bounds = array<i64: 2, 1000, 128>}, {pipeline_mode = #tpu.pipeline_mode<synchronous>, transform_indices = @transform_1, window_bounds = array<i64: 384, 128>}, {pipeline_mode = #tpu.pipeline_mode<synchronous>, transform_indices = @transform_2, window_bounds = array<i64: 1, 384>}, {transform_indices = @transform_3, window_bounds = array<i64: 1000, 128>}, {transform_indices = @transform_4, window_bounds = array<i64: 1000, 128>}]} {
    %get3A = arith.constant 0 : index
    %get3A_0 = arith.constant 0 : index
    %get3A_1 = arith.constant 0 : index
    %get3A_2 = vector.load %arg1[%get3A, %get3A_0, %get3A_1] : memref<2x1000x128xf32, #tpu.memory_space<vmem>>, vector<1x1000x128xf32>
    %get3A_3 = vector.shape_cast %get3A_2 : vector<1x1000x128xf32> to vector<1000x128xf32>
    %get3A_4 = arith.constant 1 : index
    %get3A_5 = arith.constant 0 : index
    %get3A_6 = arith.constant 0 : index
    %get3A_7 = vector.load %arg1[%get3A_4, %get3A_5, %get3A_6] : memref<2x1000x128xf32, #tpu.memory_space<vmem>>, vector<1x1000x128xf32>
    %get3A_8 = vector.shape_cast %get3A_7 : vector<1x1000x128xf32> to vector<1000x128xf32>
    %add3A = arith.addf %get3A_3, %get3A_8 : vector<1000x128xf32>
    %get3A_9 = arith.constant 0 : index
    %get3A_10 = arith.constant 0 : index
    %get3A_11 = vector.load %arg2[%get3A_9, %get3A_10] : memref<384x128xf32, #tpu.memory_space<vmem>>, vector<384x128xf32>
    %dot_general3A = arith.constant dense<0.000000e+00> : vector<1000x384xf32>
    %dot_general3A_12 = tpu.matmul %add3A, %get3A_11, %dot_general3A {dimension_numbers = #tpu.dot_dimension_numbers<[1], [1], [0], [0], [0, 0, 1, 0], [], []>, transpose_lhs_hint = false} : vector<1000x128xf32>, vector<384x128xf32>, vector<1000x384xf32> -> vector<1000x384xf32>
    %get3A_13 = arith.constant 0 : index
    %get3A_14 = arith.constant 0 : index
    %get3A_15 = vector.load %arg3[%get3A_13, %get3A_14] : memref<1x384xf32, #tpu.memory_space<vmem>>, vector<1x384xf32>
    %add3A_16 = vector.broadcast %get3A_15 : vector<1x384xf32> to vector<1000x384xf32>
    %add3A_17 = arith.addf %dot_general3A_12, %add3A_16 : vector<1000x384xf32>
    %slice3A = vector.extract_strided_slice %add3A_17 {offsets = [0, 0], sizes = [1000, 128], strides = [1, 1]} : vector<1000x384xf32> to vector<1000x128xf32>
    %logistic3A = arith.negf %slice3A : vector<1000x128xf32>
    %logistic3A_18 = math.exp %logistic3A : vector<1000x128xf32>
    %logistic3A_19 = arith.constant 1.000000e+00 : f32
    %logistic3A_20 = vector.broadcast %logistic3A_19 : f32 to vector<1000x128xf32>
    %logistic3A_21 = arith.addf %logistic3A_20, %logistic3A_18 : vector<1000x128xf32>
    %logistic3A_22 = arith.divf %logistic3A_20, %logistic3A_21 : vector<1000x128xf32>
    %slice3A_23 = vector.extract_strided_slice %add3A_17 {offsets = [0, 128], sizes = [1000, 128], strides = [1, 1]} : vector<1000x384xf32> to vector<1000x128xf32>
    %tanh3A = math.tanh %slice3A_23 : vector<1000x128xf32>
    %slice3A_24 = vector.extract_strided_slice %add3A_17 {offsets = [0, 256], sizes = [1000, 128], strides = [1, 1]} : vector<1000x384xf32> to vector<1000x128xf32>
    %logistic3A_25 = arith.negf %slice3A_24 : vector<1000x128xf32>
    %logistic3A_26 = math.exp %logistic3A_25 : vector<1000x128xf32>
    %logistic3A_27 = arith.constant 1.000000e+00 : f32
    %logistic3A_28 = vector.broadcast %logistic3A_27 : f32 to vector<1000x128xf32>
    %logistic3A_29 = arith.addf %logistic3A_28, %logistic3A_26 : vector<1000x128xf32>
    %logistic3A_30 = arith.divf %logistic3A_28, %logistic3A_29 : vector<1000x128xf32>
    %mul3A = arith.mulf %logistic3A_22, %tanh3A : vector<1000x128xf32>
    %tanh3A_31 = math.tanh %mul3A : vector<1000x128xf32>
    %mul3A_32 = arith.mulf %logistic3A_30, %tanh3A_31 : vector<1000x128xf32>
    %swap3A = arith.constant 0 : index
    %swap3A_33 = arith.constant 0 : index
    %swap3A_34 = vector.load %arg4[%swap3A, %swap3A_33] : memref<1000x128xf32, #tpu.memory_space<vmem>>, vector<1000x128xf32>
    tpu.vector_store %arg4[%swap3A, %swap3A_33], %mul3A_32 {strides = array<i32>} : memref<1000x128xf32, #tpu.memory_space<vmem>>, vector<1000x128xf32>,
    %swap3A_35 = arith.constant 0 : index
    %swap3A_36 = arith.constant 0 : index
    %swap3A_37 = vector.load %arg5[%swap3A_35, %swap3A_36] : memref<1000x128xf32, #tpu.memory_space<vmem>>, vector<1000x128xf32>
    tpu.vector_store %arg5[%swap3A_35, %swap3A_36], %mul3A {strides = array<i32>} : memref<1000x128xf32, #tpu.memory_space<vmem>>, vector<1000x128xf32>,
    return
  }
  func.func @transform_0(%arg0: i32) -> (i32, i32, i32) {
    %c0_i32 = arith.constant 0 : i32
    %c0_i32_0 = arith.constant 0 : i32
    %c0_i32_1 = arith.constant 0 : i32
    return %c0_i32, %arg0, %c0_i32_0 : i32, i32, i32
  }
  func.func @transform_1(%arg0: i32) -> (i32, i32) {
    %c0_i32 = arith.constant 0 : i32
    %c0_i32_0 = arith.constant 0 : i32
    %c0_i32_1 = arith.constant 0 : i32
    return %c0_i32, %c0_i32_0 : i32, i32
  }
  func.func @transform_2(%arg0: i32) -> (i32, i32) {
    %c0_i32 = arith.constant 0 : i32
    %c0_i32_0 = arith.constant 0 : i32
    %c0_i32_1 = arith.constant 0 : i32
    return %c0_i32, %c0_i32_0 : i32, i32
  }
  func.func @transform_3(%arg0: i32) -> (i32, i32) {
    %c0_i32 = arith.constant 0 : i32
    %c0_i32_0 = arith.constant 0 : i32
    return %arg0, %c0_i32 : i32, i32
  }
  func.func @transform_4(%arg0: i32) -> (i32, i32) {
    %c0_i32 = arith.constant 0 : i32
    %c0_i32_0 = arith.constant 0 : i32
    return %arg0, %c0_i32 : i32, i32
  }
}

</mosaic_0001>

<sc_bundles>
// kernel: kernel.4.cloned.1.call-start
scs
__scs_entry_jumppad:
0x0: {  	(pc) =	sbr.rel $0x88, $3  }
0x1: {  	(tag) =	ssettag $0x0;
	lr =	simm.s32 $0x1  }
0x2: {  	[smem:$0x3F9C] =	sst lr;
	_ =	strace $0xD0000000  }
0x3: {  	_ = 	snop  }
0x4: {  	_ = 	snop  }
0x5: {  	_ = 	snop  }
0x6: {  	_ = 	snop  }
0x7: {  	_ = 	snop  }
__scs_overlays_trampoline_lowered:
0x8: {  	[smem:$0x3FAB] =	sst s0  }
0x9: {  	[smem:$0x3FAC] =	sst s1  }
0xa: {  	[smem:$0x3FAD] =	sst s2  }
0xb: {  	[smem:$0x3FAE] =	sst s3  }
0xc: {  	[smem:$0x3FAF] =	sst s4  }
0xd: {  	[smem:$0x3FB0] =	sst s5  }
0xe: {  	[smem:$0x3FB1] =	sst s6  }
0xf: {  	[smem:$0x3FB2] =	sst s7  }
0x10: {  	[smem:$0x3FB3] =	sst s8  }
0x11: {  	[smem:$0x3FB4] =	sst s9;
	s0 =	simm.s32 @!p0 $0x0  }
0x12: {  	s1 =	sld [smem:$0x3F9A];
	s0 =	simm.s32 @p0 $0x1  }
0x13: {  	[smem:$0x3FB5] =	sst s0;
	s0 =	simm.s32 @!p1 $0x0  }
0x14: {  	s2 =	sld [smem:$0x3F99];
	s0 =	simm.s32 @p1 $0x1  }
0x15: {  	[smem:$0x3FB6] =	sst s0;
	s0 =	simm.s32 @!p2 $0x0  }
0x16: {  	s3 =	sld [smem:$0x3FDB];
	s0 =	simm.s32 @p2 $0x1  }
0x17: {  	s4 =	simm.s32 $0x1BF5;
	[smem:$0x3FB8] =	sst s0  }
0x18: {  	s0 =	sld [smem:$0x3F9B];
	_ =	swait.ge [sflag:s4], $0x0  }
0x19: {  	s7 =	sld [smem:$0x3F9C]  }
0x1a: {  	s8 =	sadd.s32 $0xFFFFE003, lr  }
0x1b: {  	s9 =	sadd.s32 $0xFFFFFEF7, lr;
	s5 =	simm.s32 $0xFFFFFFFF;
	p2 =	slt.u32 s8, $0xFFFFF086  }
0x1c: {  	p1 =	slt.u32 s9, $0xF7A;
	s5 =	simm.s32 @!p2 $0x0  }
0x1d: {  	s5 =	simm.s32 @p1 $0x1;
	p0 =	seq.s32 s7, s2  }
0x1e: {  	s7 =	smul.u32 @!p0 $0xF7A, s2;
	p2 =	seq.s32 @!p0 s5, $0x0  }
0x1f: {  	s9 =	smul.u32 $0xF7A, s1;
	s8 =	simm.s32 @!p0 $0x1BF5;
	p2 =	por !p2, p0  }
0x20: {  	[sflag:s8] =	ssyncset.s32 @!p0 $0xFFFFF086;
	s6 =	sadd.s32 @!p0 s3, s7;
	s7 =	simm.s32 @!p0 $0x108  }
0x21: {  	s3 =	sadd.s32 s3, s9;
	s6 =	sadd.s32 @!p0 $0x88, s6;
	s7 =	simm.s32 @p2 $0x1082  }
0x22: {  	[simem:s7], [sflag:s8] =	dma.local @!p0 [hbm:s6], $0xF7A  }
0x23: {  	s9 =	sor.u32 $0xD0000000, s2;
	s6 =	simm.s32 $0x108;
	_ =	swait.ge @!p0 [sflag:s8], $0x0  }
0x24: {  	s3 =	sadd.s32 $0x88, s3;
	s6 =	simm.s32 @!p1 $0x1082;
	[sflag:s4] =	ssyncset.s32 $0xFFFFF086  }
0x25: {  	[simem:s6], [sflag:s4] =	dma.local [hbm:s3], $0xF7A  }
0x26: {  	[smem:$0x3F9C] =	sst s1;
	(tag) =	ssettag s2;
	_ =	strace s9  }
0x27: {  	s1 =	sld [smem:$0x3FAC]  }
0x28: {  	s2 =	sld [smem:$0x3FAD]  }
0x29: {  	s4 =	sld [smem:$0x3FAF]  }
0x2a: {  	p0 =	seq.s32 s5, $0x0;
	s5 =	sld [smem:$0x3FB0]  }
0x2b: {  	s6 =	sld [smem:$0x3FB1]  }
0x2c: {  	s7 =	sld [smem:$0x3FB2]  }
0x2d: {  	s3 =	simm.s32 $0x108;
	s8 =	sld [smem:$0x3FB3]  }
0x2e: {  	s3 =	simm.s32 @!p0 $0x1082;
	s9 =	sld [smem:$0x3FB4]  }
0x2f: {  	lr =	sadd.s32 s0, s3;
	s0 =	sld [smem:$0x3FAB]  }
0x30: {  	s3 =	sld [smem:$0x3FAE]  }
0x31: {  	[smem:$0x3FB7] =	sst s10  }
0x32: {  	s10 =	sld [smem:$0x3FB5];
	_ =	sdelay $0x3  }
0x33: {  	p0 =	seq.s32 s10, $0x1;
	s10 =	sld [smem:$0x3FB7];
	_ =	sdelay $0x3  }
0x34: {  	[smem:$0x3FB7] =	sst s10  }
0x35: {  	s10 =	sld [smem:$0x3FB6];
	_ =	sdelay $0x3  }
0x36: {  	p1 =	seq.s32 s10, $0x1;
	s10 =	sld [smem:$0x3FB7];
	_ =	sdelay $0x3  }
0x37: {  	[smem:$0x3FB7] =	sst s10  }
0x38: {  	s10 =	sld [smem:$0x3FB8]  }
0x39: {  	_ = 	snop;
	(pc) =	sbr.ind lr, $3  }
0x3a: {  	_ = 	snop  }
0x3b: {  	_ = 	snop  }
0x3c: {  	p2 =	seq.s32 s10, $0x1;
	s10 =	sld [smem:$0x3FB7]  }
0x3d: {  	_ =	shalt  }
0x3e: {  	_ =	shalt  }
0x3f: {  	_ =	shalt  }
0x40: {  	_ =	shalt  }
0x41: {  	_ =	shalt  }
0x42: {  	_ =	shalt  }
0x43: {  	_ =	shalt  }
0x44: {  	_ =	shalt  }
0x45: {  	_ =	shalt  }
0x46: {  	_ =	shalt  }
0x47: {  	_ =	shalt  }
0x48: {  	_ =	shalt  }
0x49: {  	_ =	shalt  }
0x4a: {  	_ =	shalt  }
0x4b: {  	_ =	shalt  }
0x4c: {  	_ =	shalt  }
0x4d: {  	_ =	shalt  }
0x4e: {  	_ =	shalt  }
0x4f: {  	_ =	shalt  }
0x50: {  	_ =	shalt  }
0x51: {  	_ =	shalt  }
0x52: {  	_ =	shalt  }
0x53: {  	_ =	shalt  }
0x54: {  	_ =	shalt  }
0x55: {  	_ =	shalt  }
0x56: {  	_ =	shalt  }
0x57: {  	_ =	shalt  }
0x58: {  	_ =	shalt  }
0x59: {  	_ =	shalt  }
0x5a: {  	_ =	shalt  }
0x5b: {  	_ =	shalt  }
0x5c: {  	_ =	shalt  }
0x5d: {  	_ =	shalt  }
0x5e: {  	_ =	shalt  }
0x5f: {  	_ =	shalt  }
0x60: {  	_ =	shalt  }
0x61: {  	_ =	shalt  }
0x62: {  	_ =	shalt  }
0x63: {  	_ =	shalt  }
0x64: {  	_ =	shalt  }
0x65: {  	_ =	shalt  }
0x66: {  	_ =	shalt  }
0x67: {  	_ =	shalt  }
0x68: {  	_ =	shalt  }
0x69: {  	_ =	shalt  }
0x6a: {  	_ =	shalt  }
0x6b: {  	_ =	shalt  }
0x6c: {  	_ =	shalt  }
0x6d: {  	_ =	shalt  }
0x6e: {  	_ =	shalt  }
0x6f: {  	_ =	shalt  }
0x70: {  	_ =	shalt  }
0x71: {  	_ =	shalt  }
0x72: {  	_ =	shalt  }
0x73: {  	_ =	shalt  }
0x74: {  	_ =	shalt  }
0x75: {  	_ =	shalt  }
0x76: {  	_ =	shalt  }
0x77: {  	_ =	shalt  }
0x78: {  	_ =	shalt  }
0x79: {  	_ =	shalt  }
0x7a: {  	_ =	shalt  }
0x7b: {  	_ =	shalt  }
0x7c: {  	_ =	shalt  }
0x7d: {  	_ =	shalt  }
0x7e: {  	_ =	shalt  }
0x7f: {  	_ =	shalt  }
0x80: {  	_ =	shalt  }
0x81: {  	_ =	shalt  }
0x82: {  	_ =	shalt  }
0x83: {  	_ =	shalt  }
0x84: {  	_ =	shalt  }
0x85: {  	_ =	shalt  }
0x86: {  	_ =	shalt  }
0x87: {  	_ =	shalt  }
.Lfunc_end0:
.L_simem_size_0:
called_computation_lowered:
.L_overlay_start_0:
0x88: {  	s2 =	sld [smem:$0x3FD9]  }
0x89: {  	s3 =	sld [smem:$0x3FFE];
	_ =	sdelay $0x1  }
0x8a: {  	s1 =	srdreg.scid  }
0x8b: {  	s0 =	sand.u32 $0x1, s1  }
0x8c: {  	s14 =	sshll.u32 s0, $0xA;
	s2 =	sadd.s32 s3, s2  }
0x8d: {  	s2 =	sadd.s32 s2, s14  }
0x8e: {  	[smem:$0x3FC3] =	sst s2  }
0x8f: {  	_ = 	snop  }
0x90: {  	s2 =	sld [smem:$0x3FD0];
	_ =	sdelay $0x2  }
0x91: {  	s4 =	simm.s32 $0xA;
	s5 =	simm.s32 $0x10;
	s15 =	sld [smem:$0x3FC9]  }
0x92: {  	[smem:s5], [sflag:s4] =	dma.local [hbm:s2], $0x1  }
0x93: {  	_ =	swait.eq [sflag:s4], $0x1  }
0x94: {  	[sflag:s4] =	ssyncset.done $0x0  }
0x95: {  	s16 =	sld [smem:$0x11];
	[sflag:s4] =	ssyncadd.s32 $0xFFFFFFFF  }
0x96: {  	s17 =	sld [smem:$0x12];
	(tm) =	ssettm $0x1  }
0x97: {  	s18 =	sld [smem:$0x3FFB];
	_ =	sdelay $0x3  }
0x98: {  	_ =	strace s18  }
0x99: {  	s5 =	sld [smem:$0x3FFC];
	_ =	sdelay $0x3  }
0x9a: {  	_ =	strace s5  }
0x9b: {  	s5 =	sld [smem:$0x3FFD];
	_ =	sdelay $0x3  }
0x9c: {  	_ =	strace s5  }
0x9d: {  	_ =	strace $0x8FFFFFFF  }
0x9e: {  	s19 =	sld [smem:$0x3FDB];
	_ =	sdelay $0x1  }
0x9f: {  	s6 =	simm.s32 $_scs_section_size  }
0xa0: {  	s7 =	simm.s32 $_size__tile_overlayer_lowered;
	s8 =	simm.s32 $_tile_overlayer_lowered  }
0xa1: {  	s22 =	simm.s32 $0x1BFF;
	s21 =	sshll.u32 s8, $0x1;
	s5 =	sadd.s32 s6, s19  }
0xa2: {  	s9 =	simm.s32 $0x0;
	s20 =	sshll.u32 s7, $0x1;
	s7 =	sadd.s32 s21, s5  }
0xa3: {  	[timem:s9], [sflag:s22] =	dma.local [hbm:s7], s20  }
0xa4: {  	_ =	swait.ge [sflag:s22], s20  }
0xa5: {  	s6 =	ssub.s32 $0x0, s20;
	[sflag:s22] =	ssyncset.done $0x0  }
0xa6: {  	[sflag:s22] =	ssyncadd.s32 s6;
	_ =	sdelay $0x1  }
0xa7: {  	s23 =	simm.s32 $0x1B8B  }
0xa8: {  	_ =	swait.ge [sflag:s23], $0x1  }
0xa9: {  	[sflag:s23] =	ssyncset.done $0x0  }
0xaa: {  	s25 =	simm.s32 $0x1B8E;
	s24 =	sld [smem:$0x3FFE];
	[sflag:s23] =	ssyncadd.s32 $0xFFFFFFFF  }
0xab: {  	s26 =	simm.s32 $execute0_lowered;
	[smem:$0x3FD2] =	sst s25  }
0xac: {  	s7 =	sshll.u32 s26, $0x1;
	_ =	strace $0x80000046;
	[dreg:$0x1] =	wrdreg $0xFFFFFFFF  }
0xad: {  	s28 =	simm.s32 $_size_execute0_lowered;
	s5 =	sadd.s32 s5, s7;
	[dreg:$0x0] =	wrdreg $0x0  }
0xae: {  	s7 =	sshll.u32 s28, $0x1;
	[dreg:$0x2] =	wrdreg s5  }
0xaf: {  	[dreg:$0x3] =	wrdreg s7  }
0xb0: {  	[dreg:$0x4] =	wrdreg $0xC0  }
0xb1: {  	_ =	task [dreg:s9], $0x5FFFF  }
0xb2: {  	[dreg:$0x1] =	wrdreg $0xFFFFFFFF  }
0xb3: {  	[dreg:$0x0] =	wrdreg $0x60  }
0xb4: {  	[dreg:$0x2] =	wrdreg s15  }
0xb5: {  	[dreg:$0x3] =	wrdreg s17  }
0xb6: {  	[dreg:$0x4] =	wrdreg s16  }
0xb7: {  	[dreg:$0x5] =	wrdreg s24  }
0xb8: {  	[dreg:$0x6] =	wrdreg $0xA5000  }
0xb9: {  	[dreg:$0x7] =	wrdreg $0x9  }
0xba: {  	_ =	task.clear_ibuf [dreg:s9], $0x8FFFF;
	_ =	strace $0x90000046  }
0xbb: {  	s29 =	simm.s32 $0x9;
	_ =	strace $0x80000048  }
0xbc: {  	_ =	swait.ge [sflag:s29], $0x1  }
0xbd: {  	[sflag:s29] =	ssyncadd.s32 $0xFFFFFFFF  }
0xbe: {  	_ =	strace $0x90000048  }
0xbf: {  	_ =	sfence  }
0xc0: {  	s30 =	sld [smem:$0x0];
	_ =	sdelay $0x2  }
0xc1: {  	s31 =	sshll.u32 s1, $0xD;
	s1 =	sshrl.u32 s1, $0x2  }
0xc2: {  	s3 =	sand.u32 $0x4000, s31;
	s1 =	sadd.s32 s1, s30  }
0xc3: {  	s0 =	sor.u32 s3, s0;
	s1 =	sshll.u32 s1, $0x11  }
0xc4: {  	s0 =	sor.u32 s1, s0  }
0xc5: {  	s0 =	sadd.s32 $0x8F2B, s0  }
0xc6: {  	[sflag:s0] =	ssyncadd.remote.s32 $0x1  }
0xc7: {  	_ =	sfence.sel $0xFFFF  }
0xc8: {  	[dreg:$0x0] =	wrdreg $0xFFFFFFFF;
	(pc) =	sbr.abs _section_cstart, $3  }
0xc9: {  	[dreg:$0x1] =	wrdreg $0xFFFFFFFF  }
0xca: {  	_ =	task.clear_ibuf [dreg:s9], $0x2FFFF;
	_ =	strace $0x9FFFFFFF  }
0xcb: {  	(tm) =	ssettm $0x7FFFFFFF  }
tec
execute0_lowered:
.L_overlay_start_1:
0x0: {  	(tag) =	ssettag $0x1  }
0x1: {  	s0 =	rddreg [dreg:$0x0]  }
0x2: {  	s1 =	rddreg [dreg:$0x1]  }
0x3: {  	s3 =	rddreg [dreg:$0x2]  }
0x4: {  	s2 =	srdreg.scid;
	s4 =	rddreg [dreg:$0x3]  }
0x5: {  	s11 =	stileid.u32;
	s5 =	rddreg [dreg:$0x4]  }
0x6: {  	s6 =	simm.s32 $0x0;
	s31 =	simm.s32 $0x5400;
	s8 =	smul.u32 $0x13C00, s11  }
0x7: {  	s28 =	simm.s32 $0x0;
	s2 =	sand.u32 $0x1, s2;
	s19 =	smul.u32 $0x4F000, s11  }
0x8: {  	[smem:$0x7FF] =	sst s6;
	s9 =	sshll.u32 s11, $0x1;
	s22 =	smul.u32 $0x4E20, s11  }
0x9: {  	s7 =	smul.u32 $0x13C000, s2;
	_ =	strace $0x80000047;
	s20 =	ssub.s32 $0x2, s2  }
0xa: {  	s9 =	sor.u32 s2, s9;
	s2 =	smul.u32 $0x2710, s2;
	s10 =	sshrl.u32 s20, $0x1  }
0xb: {  	s9 =	smul.u32 $0x2710, s9;
	s7 =	sadd.s32 s8, s7;
	s8 =	sshrl.u32 s19, $0x2  }
0xc: {  	s2 =	sadd.s32 s2, s22;
	s7 =	sshrl.u32 s7, $0x3;
	s29 =	sadd.s32 s8, s5  }
0xd: {  	s9 =	sshrl.u32 s9, $0x3;
	s12 =	sadd.s32 $0x190, s2;
	s14 =	sadd.s32 $0xA0, s2  }
0xe: {  	s16 =	sadd.s32 $0xF0, s2;
	s2 =	sadd.s32 $0x140, s2;
	s4 =	sadd.s32 s7, s4  }
0xf: {  	s7 =	ssub.s32 s20, s10;
	s8 =	sadd.s32 $0x2800, s29;
	s21 =	sadd.s32 $0x5000, s29  }
0x10: {  	s23 =	sadd.s32 $0x7800, s29;
	s24 =	sadd.s32 s1, s9;
	[dreg:$0x12] =	wrdreg s2  }
0x11: {  	s25 =	sadd.s32 s3, s9;
	s26 =	sadd.s32 $0xA, s9;
	[dreg:$0x6] =	wrdreg s29  }
0x12: {  	s9 =	sadd.s32 $0x4D8, s9;
	s13 =	sshrl.u32 s12, $0x3;
	[dreg:$0x7] =	wrdreg s8  }
0x13: {  	s15 =	sshrl.u32 s14, $0x3;
	s17 =	sshrl.u32 s16, $0x3;
	[dreg:$0x8] =	wrdreg s21  }
0x14: {  	s18 =	sadd.s32 $0xA000, s29;
	s2 =	simm.s32 $0x80;
	[dreg:$0x9] =	wrdreg s23  }
0x15: {  	s12 =	simm.s32 $0x2C00;
	s14 =	simm.s32 $0x100;
	[dreg:$0xa] =	wrdreg s24  }
0x16: {  	s16 =	simm.s32 $0x180;
	[dreg:$0xb] =	wrdreg s25;
	s30 =	sadd.s32 s1, s26  }
0x17: {  	s10 =	sadd.s32 s3, s26;
	s11 =	sadd.s32 s1, s9;
	s9 =	sadd.s32 s3, s9  }
0x18: {  	s4 =	sadd.s32 $0xC00, s4;
	s7 =	smax.u32 s7, $0x1;
	[dreg:$0x13] =	wrdreg s18  }
0x19: {  	s19 =	sadd.s32 s13, s3;
	s20 =	sadd.s32 s13, s1;
	[dreg:$0xc] =	wrdreg s30  }
0x1a: {  	s22 =	sadd.s32 s15, s3;
	s23 =	sadd.s32 s15, s1;
	[dreg:$0xd] =	wrdreg s10  }
0x1b: {  	s24 =	sadd.s32 s17, s3;
	s25 =	sadd.s32 s17, s1;
	[dreg:$0xe] =	wrdreg s11  }
0x1c: {  	s21 =	sadd.s32 $0xC800, s29;
	s26 =	sadd.s32 $0xF000, s29;
	[dreg:$0xf] =	wrdreg s9  }
0x1d: {  	s8 =	simm.s32 $0x280;
	s15 =	simm.s32 $0x300;
	[dreg:$0x10] =	wrdreg s4  }
.Ltmp0:
0x1e: {  	s17 =	simm.s32 $0x380;
	[dreg:$0x11] =	wrdreg s7;
	(pc) =	sbr.rel .LBB2_1-.Ltmp0, $4  }
0x1f: {  	s18 =	simm.s32 $0x1;
	s13 =	simm.s32 $0x5;
	[dreg:$0x14] =	wrdreg s21  }
0x20: {  	[dreg:$0x15] =	wrdreg s26;
	s30 =	sadd.s32 $0x11800, s29;
	s4 =	simm.s32 $0x200  }
0x21: {  	s9 =	simm.s32 $0x3;
	s10 =	simm.s32 $0x50;
	s11 =	simm.s32 $0x400  }
0x22: {  	v0 =	vimm.f32 $0.0e+00;
	s21 =	simm.s32 $0x7C00;
	s26 =	simm.s32 $0x2;
	[dreg:$0x16] =	wrdreg s30  }
.LBB2_6:
0x23: {  	_ =	swait.ge [sflag:s18], $0x2800  }
0x24: {  	[sflag:s18] =	ssyncset.done $0x0  }
0x25: {  	[sflag:s18] =	ssyncadd.s32 $0xFFFFD800  }
0x26: {  	_ =	swait.ge [sflag:s18], $0x2800  }
0x27: {  	[sflag:s18] =	ssyncset.done $0x0  }
0x28: {  	[sflag:s18] =	ssyncadd.s32 $0xFFFFD800  }
0x29: {  	[spmem:s5] =	stream.indirect.scatter.add.f32 [tilespmem:s31], [sflag:$0x2], $0x80, s15, s10, $0xb8;
	[tilespmem:$0x1E100] =	vst v63  }
0x2a: {  	_ = 	snop  }
0x2b: {  	[spmem:s5] =	stream.indirect.scatter.add.f32 [tilespmem:s21], [sflag:$0x2], $0x80, s17, s10, $0xb8;
	[tilespmem:$0x1E100] =	vst v63  }
0x2c: {  	_ =	swait.ge [sflag:s26], $0x2800  }
0x2d: {  	[sflag:s26] =	ssyncset.done $0x0  }
0x2e: {  	[sflag:s26] =	ssyncadd.s32 $0xFFFFD800  }
0x2f: {  	_ =	swait.ge [sflag:s26], $0x2800  }
0x30: {  	[sflag:s26] =	ssyncset.done $0x0  }
0x31: {  	s28 =	simm.s32 $0xA400;
	s7 =	rddreg [dreg:$0xe];
	[sflag:s26] =	ssyncadd.s32 $0xFFFFD800  }
0x32: {  	[tilespmem:s28], [sflag:$0x5] =	stream.linear.gather [hbm4b:s7+s6], $0x50, $0x38;
	[tilespmem:$0x1E100] =	vst v63  }
0x33: {  	_ =	swait.ge [sflag:s13], $0x50  }
0x34: {  	[sflag:s13] =	ssyncset.done $0x0  }
0x35: {  	s29 =	simm.s32 $0xA480;
	s30 =	rddreg [dreg:$0xf];
	[sflag:s13] =	ssyncadd.s32 $0xFFFFFFB0  }
0x36: {  	[tilespmem:s29], [sflag:$0x5] =	stream.linear.gather [hbm4b:s30+s6], $0x50, $0x38;
	[tilespmem:$0x1E100] =	vst v63  }
0x37: {  	_ =	swait.ge [sflag:s13], $0x50  }
0x38: {  	[sflag:s13] =	ssyncset.done $0x0  }
0x39: {  	[sflag:s13] =	ssyncadd.s32 $0xFFFFFFB0  }
0x3a: {  	[tilespmem:s11], [sflag:$0x1] =	stream.indirect.gather [hbm4b:s0+s10], $0x80, s28, s10, $0xb8;
	[tilespmem:$0x1E100] =	vst v63  }
0x3b: {  	_ =	swait.ge [sflag:s18], $0x2800  }
0x3c: {  	[sflag:s18] =	ssyncset.done $0x0  }
0x3d: {  	[sflag:s18] =	ssyncadd.s32 $0xFFFFD800  }
0x3e: {  	[spmem:s5] =	stream.indirect.scatter.add.f32 [tilespmem:s11], [sflag:$0x5], $0x80, s29, s10, $0xb8;
	[tilespmem:$0x1E100] =	vst v63  }
0x3f: {  	_ =	swait.ge [sflag:s13], $0x2800  }
0x40: {  	[sflag:s13] =	ssyncset.done $0x0  }
0x41: {  	[sflag:s13] =	ssyncadd.s32 $0xFFFFD800  }
0x42: {  	s30 =	stileid.u32;
	[bflag:$0x0] =	sbarrier.arrive $0xFFFF  }
0x43: {  	s7 =	sshll.u32 s30, $0x6;
	s29 =	rddreg [dreg:$0x6]  }
0x44: {  	s7 =	sor.u32 $0x1C05, s7;
	s30 =	rddreg [dreg:$0x10];
	s28 =	sshrl.u32 s29, $0x3  }
0x45: {  	[hbm:s30], [sflag:s7] =	dma.local [spmem:s28], $0x2780  }
0x46: {  	_ =	swait.ge [sflag:s13], $0x2780  }
0x47: {  	s28 =	rddreg [dreg:$0x17]  }
0x48: {  	s30 =	rddreg [dreg:$0x11];
	s28 =	sadd.s32 $0x1, s28  }
0x49: {  	p0 =	sne.s32 s28, s30  }
.Ltmp1:
0x4a: {  	_ = 	snop;
	(pc) =	sbr.rel @!p0 .LBB2_7-.Ltmp1, $3  }
0x4b: {  	_ =	sdelay $0x1  }
0x4c: {  	[sflag:s13] =	ssyncset.done $0x0  }
0x4d: {  	[sflag:s13] =	ssyncadd.s32 $0xFFFFD880  }
.LBB2_1:
0x4e: {  	[dreg:$0x17] =	wrdreg s28;
	s7 =	simm.s32 $0x0;
	s30 =	simm.s32 $0x200  }
.LBB2_2:
0x4f: {  	p0 =	sne.s32 s30, $0x9E00;
	[tilespmem:s7+$0x5470] =	vst v0  }
0x50: {  	[tilespmem:s7+$0x5400] =	vst v0  }
0x51: {  	[tilespmem:s7+$0x5410] =	vst v0  }
.Ltmp2:
0x52: {  	[tilespmem:s7+$0x5420] =	vst v0;
	(pc) =	sbr.rel @p0 .LBB2_2-.Ltmp2, $4  }
0x53: {  	[tilespmem:s7+$0x5430] =	vst v0  }
0x54: {  	[tilespmem:s7+$0x5440] =	vst v0  }
0x55: {  	[tilespmem:s7+$0x5450] =	vst v0  }
0x56: {  	[tilespmem:s7+$0x5460] =	vst v0;
	s7 =	sshra.s32 s30, $0x2;
	s30 =	sadd.s32 $0x200, s30  }
0x57: {  	[tilespmem:s7+$0x5470] =	vst v0  }
0x58: {  	[tilespmem:s7+$0x5400] =	vst v0  }
0x59: {  	[tilespmem:s7+$0x5410] =	vst v0  }
0x5a: {  	[tilespmem:s7+$0x5420] =	vst v0  }
0x5b: {  	[tilespmem:s7+$0x5430] =	vst v0  }
0x5c: {  	[tilespmem:s7+$0x5440] =	vst v0  }
0x5d: {  	[tilespmem:s7+$0x5450] =	vst v0  }
0x5e: {  	[tilespmem:s7+$0x5460] =	vst v0  }
0x5f: {  	[spmem:s29] =	stream.linear.scatter [tilespmem:s31], [sflag:$0x4], $0x2800, $0x38;
	[tilespmem:$0x1E100] =	vst v63  }
0x60: {  	s28 =	rddreg [dreg:$0x7]  }
0x61: {  	[spmem:s28] =	stream.linear.scatter [tilespmem:s31], [sflag:$0x4], $0x2800, $0x38;
	[tilespmem:$0x1E100] =	vst v63  }
0x62: {  	s29 =	rddreg [dreg:$0x8]  }
0x63: {  	[spmem:s29] =	stream.linear.scatter [tilespmem:s31], [sflag:$0x4], $0x2800, $0x38;
	[tilespmem:$0x1E100] =	vst v63  }
0x64: {  	s28 =	rddreg [dreg:$0x9]  }
0x65: {  	[spmem:s28] =	stream.linear.scatter [tilespmem:s31], [sflag:$0x4], $0x2800, $0x38;
	[tilespmem:$0x1E100] =	vst v63  }
0x66: {  	s29 =	rddreg [dreg:$0x13]  }
0x67: {  	[spmem:s29] =	stream.linear.scatter [tilespmem:s31], [sflag:$0x4], $0x2800, $0x38;
	[tilespmem:$0x1E100] =	vst v63  }
0x68: {  	s28 =	rddreg [dreg:$0x14]  }
0x69: {  	[spmem:s28] =	stream.linear.scatter [tilespmem:s31], [sflag:$0x4], $0x2800, $0x38;
	[tilespmem:$0x1E100] =	vst v63  }
0x6a: {  	s29 =	rddreg [dreg:$0x15]  }
0x6b: {  	[spmem:s29] =	stream.linear.scatter [tilespmem:s31], [sflag:$0x4], $0x2800, $0x38;
	[tilespmem:$0x1E100] =	vst v63  }
0x6c: {  	s28 =	rddreg [dreg:$0x16]  }
0x6d: {  	[spmem:s28] =	stream.linear.scatter [tilespmem:s31], [sflag:$0x4], $0x2400, $0x38;
	[tilespmem:$0x1E100] =	vst v63  }
0x6e: {  	s30 =	simm.s32 $0x0;
	s29 =	rddreg [dreg:$0xa]  }
0x6f: {  	[tilespmem:s30], [sflag:$0x3] =	stream.linear.gather [hbm4b:s29+s30], $0x50, $0x38;
	[tilespmem:$0x1E100] =	vst v63  }
0x70: {  	s28 =	rddreg [dreg:$0xb]  }
0x71: {  	[tilespmem:s4], [sflag:$0x3] =	stream.linear.gather [hbm4b:s28+s30], $0x50, $0x38;
	[tilespmem:$0x1E100] =	vst v63  }
0x72: {  	s29 =	rddreg [dreg:$0xc]  }
0x73: {  	[tilespmem:s2], [sflag:$0x3] =	stream.linear.gather [hbm4b:s29+s30], $0x50, $0x38;
	[tilespmem:$0x1E100] =	vst v63  }
0x74: {  	s28 =	rddreg [dreg:$0xd]  }
0x75: {  	[tilespmem:s8], [sflag:$0x3] =	stream.linear.gather [hbm4b:s28+s30], $0x50, $0x38;
	[tilespmem:$0x1E100] =	vst v63  }
0x76: {  	_ =	swait.ge [sflag:s9], $0x50  }
0x77: {  	[sflag:s9] =	ssyncset.done $0x0  }
0x78: {  	[sflag:s9] =	ssyncadd.s32 $0xFFFFFFB0  }
0x79: {  	_ =	swait.ge [sflag:s9], $0x50  }
0x7a: {  	[sflag:s9] =	ssyncset.done $0x0  }
0x7b: {  	[sflag:s9] =	ssyncadd.s32 $0xFFFFFFB0  }
0x7c: {  	_ =	swait.ge [sflag:s9], $0x50  }
0x7d: {  	[sflag:s9] =	ssyncset.done $0x0  }
0x7e: {  	[sflag:s9] =	ssyncadd.s32 $0xFFFFFFB0  }
0x7f: {  	_ =	swait.ge [sflag:s9], $0x50  }
0x80: {  	[sflag:s9] =	ssyncset.done $0x0  }
0x81: {  	[sflag:s9] =	ssyncadd.s32 $0xFFFFFFB0  }
0x82: {  	[tilespmem:s11], [sflag:$0x1] =	stream.indirect.gather [hbm4b:s0+s10], $0x80, s30, s10, $0xb8;
	[tilespmem:$0x1E100] =	vst v63  }
0x83: {  	s29 =	simm.s32 $0x4  }
0x84: {  	[tilespmem:s12], [sflag:$0x1] =	stream.indirect.gather [hbm4b:s0+s10], $0x80, s2, s10, $0xb8;
	[tilespmem:$0x1E100] =	vst v63  }
0x85: {  	_ =	swait.ge [sflag:s29], $0x2800  }
0x86: {  	[sflag:s29] =	ssyncset.done $0x0  }
0x87: {  	[sflag:s29] =	ssyncadd.s32 $0xFFFFD800  }
0x88: {  	_ =	swait.ge [sflag:s29], $0x2800  }
0x89: {  	[sflag:s29] =	ssyncset.done $0x0  }
0x8a: {  	[sflag:s29] =	ssyncadd.s32 $0xFFFFD800  }
0x8b: {  	_ =	swait.ge [sflag:s29], $0x2800  }
0x8c: {  	[sflag:s29] =	ssyncset.done $0x0  }
0x8d: {  	[sflag:s29] =	ssyncadd.s32 $0xFFFFD800  }
0x8e: {  	_ =	swait.ge [sflag:s29], $0x2800  }
0x8f: {  	[sflag:s29] =	ssyncset.done $0x0  }
0x90: {  	[sflag:s29] =	ssyncadd.s32 $0xFFFFD800  }
0x91: {  	_ =	swait.ge [sflag:s29], $0x2800  }
0x92: {  	[sflag:s29] =	ssyncset.done $0x0  }
0x93: {  	[sflag:s29] =	ssyncadd.s32 $0xFFFFD800  }
0x94: {  	_ =	swait.ge [sflag:s29], $0x2800  }
0x95: {  	[sflag:s29] =	ssyncset.done $0x0  }
0x96: {  	[sflag:s29] =	ssyncadd.s32 $0xFFFFD800  }
0x97: {  	_ =	swait.ge [sflag:s29], $0x2800  }
0x98: {  	[sflag:s29] =	ssyncset.done $0x0  }
0x99: {  	[sflag:s29] =	ssyncadd.s32 $0xFFFFD800  }
0x9a: {  	_ =	swait.ge [sflag:s29], $0x2400  }
0x9b: {  	[sflag:s29] =	ssyncset.done $0x0  }
0x9c: {  	[sflag:s29] =	ssyncadd.s32 $0xFFFFDC00  }
0x9d: {  	[bflag:$0x0] =	sbarrier.arrive $0xFFFF  }
0x9e: {  	s7 =	rddreg [dreg:$0x12]  }
.LBB2_4:
0x9f: {  	p0 =	seq.s32 s30, $0x0  }
0xa0: {  	s29 =	simm.s32 @!p0 $0x2  }
0xa1: {  	_ =	swait.ge @!p0 [sflag:s29], $0x2800  }
0xa2: {  	[sflag:s29] =	ssyncset.done @!p0 $0x0  }
0xa3: {  	[sflag:s29] =	ssyncadd.s32 @!p0 $0xFFFFD800  }
0xa4: {  	_ =	swait.ge @!p0 [sflag:s29], $0x2800  }
0xa5: {  	[sflag:s29] =	ssyncset.done @!p0 $0x0  }
0xa6: {  	s28 =	sadd.s32 s30, s23;
	[sflag:s29] =	ssyncadd.s32 @!p0 $0xFFFFD800  }
0xa7: {  	[tilespmem:s14], [sflag:$0x3] =	stream.linear.gather [hbm4b:s28+s6], $0x50, $0x38;
	[tilespmem:$0x1E100] =	vst v63  }
0xa8: {  	s28 =	sadd.s32 s30, s22  }
0xa9: {  	[tilespmem:s15], [sflag:$0x3] =	stream.linear.gather [hbm4b:s28+s6], $0x50, $0x38;
	[tilespmem:$0x1E100] =	vst v63  }
0xaa: {  	s28 =	sadd.s32 s30, s25  }
0xab: {  	[tilespmem:s16], [sflag:$0x3] =	stream.linear.gather [hbm4b:s28+s6], $0x50, $0x38;
	[tilespmem:$0x1E100] =	vst v63  }
0xac: {  	s28 =	sadd.s32 s30, s24  }
0xad: {  	[tilespmem:s17], [sflag:$0x3] =	stream.linear.gather [hbm4b:s28+s6], $0x50, $0x38;
	[tilespmem:$0x1E100] =	vst v63  }
0xae: {  	_ =	swait.ge [sflag:s18], $0x2800  }
0xaf: {  	[sflag:s18] =	ssyncset.done $0x0  }
0xb0: {  	[sflag:s18] =	ssyncadd.s32 $0xFFFFD800  }
0xb1: {  	_ =	swait.ge [sflag:s18], $0x2800  }
0xb2: {  	[sflag:s18] =	ssyncset.done $0x0  }
0xb3: {  	[sflag:s18] =	ssyncadd.s32 $0xFFFFD800  }
0xb4: {  	[spmem:s5] =	stream.indirect.scatter.add.f32 [tilespmem:s11], [sflag:$0x2], $0x80, s4, s10, $0xb8;
	[tilespmem:$0x1E100] =	vst v63  }
0xb5: {  	_ = 	snop  }
0xb6: {  	[spmem:s5] =	stream.indirect.scatter.add.f32 [tilespmem:s12], [sflag:$0x2], $0x80, s8, s10, $0xb8;
	[tilespmem:$0x1E100] =	vst v63  }
0xb7: {  	_ =	swait.ge [sflag:s9], $0x50  }
0xb8: {  	[sflag:s9] =	ssyncset.done $0x0  }
0xb9: {  	[sflag:s9] =	ssyncadd.s32 $0xFFFFFFB0  }
0xba: {  	_ =	swait.ge [sflag:s9], $0x50  }
0xbb: {  	[sflag:s9] =	ssyncset.done $0x0  }
0xbc: {  	[sflag:s9] =	ssyncadd.s32 $0xFFFFFFB0  }
0xbd: {  	_ =	swait.ge [sflag:s9], $0x50  }
0xbe: {  	[sflag:s9] =	ssyncset.done $0x0  }
0xbf: {  	[sflag:s9] =	ssyncadd.s32 $0xFFFFFFB0  }
0xc0: {  	_ =	swait.ge [sflag:s9], $0x50  }
0xc1: {  	[sflag:s9] =	ssyncset.done $0x0  }
0xc2: {  	[sflag:s9] =	ssyncadd.s32 $0xFFFFFFB0  }
0xc3: {  	[tilespmem:s31], [sflag:$0x1] =	stream.indirect.gather [hbm4b:s0+s10], $0x80, s14, s10, $0xb8;
	[tilespmem:$0x1E100] =	vst v63  }
0xc4: {  	_ = 	snop  }
0xc5: {  	[tilespmem:s21], [sflag:$0x1] =	stream.indirect.gather [hbm4b:s0+s10], $0x80, s16, s10, $0xb8;
	[tilespmem:$0x1E100] =	vst v63  }
0xc6: {  	p0 =	seq.s32 s30, $0x4B0;
	_ =	swait.ge [sflag:s26], $0x2800  }
.Ltmp3:
0xc7: {  	[sflag:s26] =	ssyncset.done $0x0;
	(pc) =	sbr.rel @p0 .LBB2_6-.Ltmp3, $4  }
0xc8: {  	[sflag:s26] =	ssyncadd.s32 $0xFFFFD800  }
0xc9: {  	_ =	swait.ge [sflag:s26], $0x2800  }
0xca: {  	[sflag:s26] =	ssyncset.done $0x0  }
0xcb: {  	[sflag:s26] =	ssyncadd.s32 $0xFFFFD800  }
0xcc: {  	s29 =	sshrl.u32 s7, $0x3  }
0xcd: {  	s28 =	sadd.s32 s1, s29  }
0xce: {  	[tilespmem:s6], [sflag:$0x3] =	stream.linear.gather [hbm4b:s28+s6], $0x50, $0x38;
	[tilespmem:$0x1E100] =	vst v63  }
0xcf: {  	s29 =	sadd.s32 s3, s29  }
0xd0: {  	[tilespmem:s4], [sflag:$0x3] =	stream.linear.gather [hbm4b:s29+s6], $0x50, $0x38;
	[tilespmem:$0x1E100] =	vst v63  }
0xd1: {  	s29 =	sadd.s32 s30, s20  }
0xd2: {  	[tilespmem:s2], [sflag:$0x3] =	stream.linear.gather [hbm4b:s29+s6], $0x50, $0x38;
	[tilespmem:$0x1E100] =	vst v63  }
0xd3: {  	s29 =	sadd.s32 s30, s19  }
0xd4: {  	[tilespmem:s8], [sflag:$0x3] =	stream.linear.gather [hbm4b:s29+s6], $0x50, $0x38;
	[tilespmem:$0x1E100] =	vst v63  }
0xd5: {  	_ =	swait.ge [sflag:s18], $0x2800  }
0xd6: {  	[sflag:s18] =	ssyncset.done $0x0  }
0xd7: {  	[sflag:s18] =	ssyncadd.s32 $0xFFFFD800  }
0xd8: {  	_ =	swait.ge [sflag:s18], $0x2800  }
0xd9: {  	[sflag:s18] =	ssyncset.done $0x0  }
0xda: {  	[sflag:s18] =	ssyncadd.s32 $0xFFFFD800  }
0xdb: {  	[spmem:s5] =	stream.indirect.scatter.add.f32 [tilespmem:s31], [sflag:$0x2], $0x80, s15, s10, $0xb8;
	[tilespmem:$0x1E100] =	vst v63  }
0xdc: {  	_ = 	snop  }
0xdd: {  	[spmem:s5] =	stream.indirect.scatter.add.f32 [tilespmem:s21], [sflag:$0x2], $0x80, s17, s10, $0xb8;
	[tilespmem:$0x1E100] =	vst v63  }
0xde: {  	_ =	swait.ge [sflag:s9], $0x50  }
0xdf: {  	[sflag:s9] =	ssyncset.done $0x0  }
0xe0: {  	[sflag:s9] =	ssyncadd.s32 $0xFFFFFFB0  }
0xe1: {  	_ =	swait.ge [sflag:s9], $0x50  }
0xe2: {  	[sflag:s9] =	ssyncset.done $0x0  }
0xe3: {  	[sflag:s9] =	ssyncadd.s32 $0xFFFFFFB0  }
0xe4: {  	_ =	swait.ge [sflag:s9], $0x50  }
0xe5: {  	[sflag:s9] =	ssyncset.done $0x0  }
0xe6: {  	[sflag:s9] =	ssyncadd.s32 $0xFFFFFFB0  }
0xe7: {  	_ =	swait.ge [sflag:s9], $0x50  }
.Ltmp4:
0xe8: {  	[sflag:s9] =	ssyncset.done $0x0;
	(pc) =	sbr.rel .LBB2_4-.Ltmp4, $4  }
0xe9: {  	[sflag:s9] =	ssyncadd.s32 $0xFFFFFFB0  }
0xea: {  	[tilespmem:s11], [sflag:$0x1] =	stream.indirect.gather [hbm4b:s0+s10], $0x80, s6, s10, $0xb8;
	[tilespmem:$0x1E100] =	vst v63  }
0xeb: {  	s7 =	sadd.s32 $0x140, s7;
	s30 =	sadd.s32 $0x28, s30  }
0xec: {  	[tilespmem:s12], [sflag:$0x1] =	stream.indirect.gather [hbm4b:s0+s10], $0x80, s2, s10, $0xb8;
	[tilespmem:$0x1E100] =	vst v63  }
.LBB2_7:
0xed: {  	_ =	sfence.sel $0x180000  }
0xee: {  	[bflag:$0x0] =	sbarrier.arrive $0xFFFF  }
0xef: {  	_ =	strace $0x90000047  }
0xf0: {  	s0 =	stileid.u32;
	[bflag:$0x2] =	sbarrier.arrive $0xFFFF  }
0xf1: {  	p0 =	sne.s32 s0, $0x0;
	s0 =	rddreg [dreg:$0x5]  }
0xf2: {  	s0 =	sadd.s32 @!p0 $0x100000, s0  }
0xf3: {  	[sflag:s0] =	ssyncadd.tile.s32 @!p0 $0x1;
	_ =	shalt  }
.Lfunc_end2:
_tile_overlayer_lowered:
.L_overlay_start_2:
0xf4: {  	(tag) =	ssettag $0x2  }
0xf5: {  	s0 =	rddreg [dreg:$0x0];
	s2 =	stileid.u32  }
0xf6: {  	s1 =	rddreg [dreg:$0x1];
	p0 =	sne.s32 s2, $0x0  }
0xf7: {  	s3 =	rddreg [dreg:$0x2];
	[bflag:$0x3] =	sbarrier.arrive $0xFFFF;
	s2 =	simm.s32 @!p0 $0x1C05  }
0xf8: {  	[timem:s3], [sflag:s2] =	dma.local @!p0 [hbm:s0], s1  }
0xf9: {  	s0 =	simm.s32 @!p0 $0x5  }
0xfa: {  	_ =	swait.ge @!p0 [sflag:s0], s1  }
0xfb: {  	s1 =	ssub.s32 @!p0 $0x0, s1;
	[sflag:s0] =	ssyncset.done @!p0 $0x0  }
0xfc: {  	[sflag:s0] =	ssyncadd.s32 @!p0 s1  }
0xfd: {  	[bflag:$0x3] =	sbarrier.arrive $0xFFFF  }
0xfe: {  	_ =	shalt  }

</sc_bundles>
